<compile_context>
chip_gen: v7x
topology: tpu7x:2x2x1
jax: 0.10.2.dev20260603
libtpu: 0.0.44.dev20260713+nightly
codegen_flags: <defaults>
</compile_context>

<pallas_src>
import functools

import jax
import jax.numpy as jnp
from jax import lax
from jax.experimental import pallas as pl
from jax.experimental.pallas import tpu as pltpu
from jax.experimental.pallas import tpu_sc as plsc

N = 10000
E = 320000
D = 128

NP = 10240
EP = 331776
PAD_E = EP - (E + N)
ROWS_T = NP // 16
CH = 128
NCH_PASS = EP // 16 // CH
NCH_DEG = EP // 16 // CH
DST_PAD = NP - 8

_mesh = plsc.VectorSubcoreMesh(core_axis_name="c", subcore_axis_name="s")


@functools.partial(
    pl.kernel,
    out_type=(
        jax.ShapeDtypeStruct((NP, D), jnp.float32),
        jax.ShapeDtypeStruct((NP, 16), jnp.float32),
    ),
    mesh=_mesh,
    scratch_types=(
        pltpu.VMEM_SHARED((NP, 16), jnp.float32),
        pltpu.VMEM((CH,), jnp.int32),
        pltpu.VMEM((CH, D), jnp.float32),
        pltpu.VMEM((CH, 16), jnp.float32),
        pltpu.VMEM((CH, 16), jnp.float32),
        pltpu.SemaphoreType.DMA,
    ),
)
def _sc_prep(x, perm, dst, ones16, zeros16, xp_out, deg_out,
             acc16, idx_v, msg_v, ones_v, z16_v, sem):
    cid = lax.axis_index("c")
    sid = lax.axis_index("s")

    @pl.when(cid == 0)
    def _gather_perm():
        for i in range(ROWS_T // CH):
            b = sid * ROWS_T + i * CH
            pltpu.sync_copy(perm.at[pl.ds(b, CH)], idx_v)
            pltpu.async_copy(x.at[idx_v], msg_v, sem).wait()
            pltpu.sync_copy(msg_v, xp_out.at[pl.ds(b, CH)])

    @pl.when(cid == 1)
    def _deg():
        pltpu.sync_copy(ones16, ones_v)
        pltpu.sync_copy(zeros16, z16_v)
        for i in range(ROWS_T // CH):
            pltpu.sync_copy(z16_v, acc16.at[pl.ds(sid * ROWS_T + i * CH, CH)])
        plsc.subcore_barrier()

        def chunk(i, c):
            b = sid * (EP // 16) + i * CH
            pltpu.sync_copy(dst.at[pl.ds(b, CH)], idx_v)
            pltpu.sync_copy(ones_v, acc16.at[idx_v], add=True)
            return c

        lax.fori_loop(0, NCH_DEG, chunk, 0)
        plsc.subcore_barrier()
        pltpu.sync_copy(acc16.at[pl.ds(sid * ROWS_T, ROWS_T)],
                        deg_out.at[pl.ds(sid * ROWS_T, ROWS_T)])


@functools.partial(
    pl.kernel,
    out_type=(
        jax.ShapeDtypeStruct((NP, D), jnp.float32),
        jax.ShapeDtypeStruct((NP, D), jnp.float32),
    ),
    mesh=_mesh,
    scratch_types=(
        pltpu.VMEM_SHARED((NP, D), jnp.float32),
        pltpu.VMEM((CH,), jnp.int32),
        pltpu.VMEM((CH,), jnp.int32),
        pltpu.VMEM((CH, D), jnp.float32),
        pltpu.VMEM((CH, D), jnp.float32),
        pltpu.SemaphoreType.DMA,
    ),
)
def _sc_propagate(featP, featN, src, dst, zeros, outP, outN,
                  acc, idx_v, dst_v, msg_v, zbuf, sem):
    cid = lax.axis_index("c")
    sid = lax.axis_index("s")

    def half(feat, out):
        pltpu.sync_copy(zeros, zbuf)
        for i in range(ROWS_T // CH):
            pltpu.sync_copy(zbuf, acc.at[pl.ds(sid * ROWS_T + i * CH, CH)])
        plsc.subcore_barrier()

        def chunk(i, c):
            b = sid * (EP // 16) + i * CH
            pltpu.sync_copy(src.at[pl.ds(b, CH)], idx_v)
            pltpu.sync_copy(dst.at[pl.ds(b, CH)], dst_v)
            pltpu.async_copy(feat.at[idx_v], msg_v, sem).wait()
            pltpu.sync_copy(msg_v, acc.at[dst_v], add=True)
            return c

        lax.fori_loop(0, NCH_PASS, chunk, 0)
        plsc.subcore_barrier()
        pltpu.sync_copy(acc.at[pl.ds(sid * ROWS_T, ROWS_T)],
                        out.at[pl.ds(sid * ROWS_T, ROWS_T)])

    @pl.when(cid == 0)
    def _pos():
        half(featP, outP)

    @pl.when(cid == 1)
    def _neg():
        half(featN, outN)


def _tc_layer1_body(x_ref, xp_ref, deg_ref, w1_ref, hsP_ref, hsN_ref, dinv_ref):
    dv = lax.rsqrt(deg_ref[...][:N, 0:1])
    w1 = w1_ref[...]
    hsP_ref[...] = jnp.dot(x_ref[...], w1, preferred_element_type=jnp.float32) * dv
    hsN_ref[...] = jnp.dot(xp_ref[...][:N], w1, preferred_element_type=jnp.float32) * dv
    dinv_ref[...] = dv


def _tc_layer2_body(aP_ref, aN_ref, dinv_ref, a1_ref, w2_ref, hsP_ref, hsN_ref):
    dv = dinv_ref[...]
    a1 = a1_ref[...]
    w2 = w2_ref[...]
    for a_ref, o_ref in ((aP_ref, hsP_ref), (aN_ref, hsN_ref)):
        t = a_ref[...][:N] * dv
        z = jnp.where(t > 0, t, a1[None, :] * t)
        o_ref[...] = jnp.dot(z, w2, preferred_element_type=jnp.float32) * dv


def _tc_finish_body(aP_ref, aN_ref, dinv_ref, a2_ref, wd_ref, out_ref):
    dv = dinv_ref[...]
    a2 = a2_ref[...]
    tP = aP_ref[...][:N] * dv
    pos = jnp.where(tP > 0, tP, a2[None, :] * tP)
    tN = aN_ref[...][:N] * dv
    neg = jnp.where(tN > 0, tN, a2[None, :] * tN)
    summary = jax.nn.sigmoid(jnp.mean(pos, axis=0))
    svec = jnp.dot(wd_ref[...], summary[:, None], preferred_element_type=jnp.float32)
    pos_logits = jnp.dot(pos, svec, preferred_element_type=jnp.float32)
    neg_logits = jnp.dot(neg, svec, preferred_element_type=jnp.float32)

    def softplus(v):
        return jnp.maximum(v, 0.0) + jnp.log1p(jnp.exp(-jnp.abs(v)))

    l1 = jnp.mean(softplus(-pos_logits))
    l2 = jnp.mean(softplus(neg_logits))
    out_ref[...] = jnp.reshape(l1 + l2, (1, 1))


_tc_layer1 = pl.pallas_call(
    _tc_layer1_body,
    out_shape=(
        jax.ShapeDtypeStruct((N, D), jnp.float32),
        jax.ShapeDtypeStruct((N, D), jnp.float32),
        jax.ShapeDtypeStruct((N, 1), jnp.float32),
    ),
)

_tc_layer2 = pl.pallas_call(
    _tc_layer2_body,
    out_shape=(
        jax.ShapeDtypeStruct((N, D), jnp.float32),
        jax.ShapeDtypeStruct((N, D), jnp.float32),
    ),
)

_tc_finish = pl.pallas_call(
    _tc_finish_body,
    out_shape=jax.ShapeDtypeStruct((1, 1), jnp.float32),
)


def kernel(x, edges_pos, edges_neg, W1, a1, W2, a2, Wd):
    del edges_neg
    loop = jnp.arange(N, dtype=jnp.int32)
    src = jnp.concatenate(
        [edges_pos[0].astype(jnp.int32), loop,
         jnp.zeros((PAD_E,), jnp.int32)])
    dst = jnp.concatenate(
        [edges_pos[1].astype(jnp.int32), loop,
         jnp.full((PAD_E,), DST_PAD, jnp.int32)])
    perm_n = jax.random.permutation(jax.random.key(42), N).astype(jnp.int32)
    perm = jnp.concatenate([perm_n, jnp.zeros((NP - N,), jnp.int32)])
    zeros = jnp.zeros((CH, D), jnp.float32)
    ones16 = jnp.ones((CH, 16), jnp.float32)
    zeros16 = jnp.zeros((CH, 16), jnp.float32)

    xp, deg = _sc_prep(x, perm, dst, ones16, zeros16)
    hsP, hsN, dinv = _tc_layer1(x, xp, deg, W1)
    accP, accN = _sc_propagate(hsP, hsN, src, dst, zeros)
    hs2P, hs2N = _tc_layer2(accP, accN, dinv, a1, W2)
    acc2P, acc2N = _sc_propagate(hs2P, hs2N, src, dst, zeros)
    out = _tc_finish(acc2P, acc2N, dinv, a2, Wd)
    return out[0, 0]

# --- scband reference (transcript-rebuilt; emitter-appended) ---
"""Pipeline reference for scband-dgi-10041633538524 (READ-ONLY COPY).

The authoritative reference and input builder live on the scoring server;
editing this copy changes nothing except your own understanding.
"""

import jax, jax.numpy as jnp
import numpy as np

N = 10000
E = 320000
D = 128


def gcn_conv(x, edge_index, W):
    n = x.shape[0]
    loop = jnp.arange(n, dtype=edge_index.dtype)
    src = jnp.concatenate([edge_index[0], loop])
    dst = jnp.concatenate([edge_index[1], loop])
    deg = jax.ops.segment_sum(jnp.ones(src.shape[0], dtype=x.dtype), dst, num_segments=n)
    dinv = jnp.where(deg > 0, 1.0 / jnp.sqrt(deg), 0.0)
    norm = dinv[src] * dinv[dst]
    h = x @ W
    msg = h[src] * norm[:, None]
    return jax.ops.segment_sum(msg, dst, num_segments=n)


def prelu(x, a):
    return jnp.where(x > 0, x, a * x)


def encoder(x, edge_index, W1, a1, W2, a2):
    z = prelu(gcn_conv(x, edge_index, W1), a1)
    z = prelu(gcn_conv(z, edge_index, W2), a2)
    return z


def setup_inputs(seed: int = 0):
    key = jax.random.key(seed)
    ks = jax.random.split(key, 8)
    x = jax.random.normal(ks[0], (N, D), dtype=jnp.float32)
    edges_pos = jax.random.randint(ks[1], (2, E), 0, N, dtype=jnp.int32)
    edges_neg = jax.random.randint(ks[2], (2, E), 0, N, dtype=jnp.int32)
    s = float(np.sqrt(6.0 / (D + D)))
    W1 = jax.random.uniform(ks[3], (D, D), dtype=jnp.float32, minval=-s, maxval=s)
    W2 = jax.random.uniform(ks[4], (D, D), dtype=jnp.float32, minval=-s, maxval=s)
    Wd = jax.random.uniform(ks[5], (D, D), dtype=jnp.float32, minval=-s, maxval=s)
    a1 = jnp.full((D,), 0.25, dtype=jnp.float32)
    a2 = jnp.full((D,), 0.25, dtype=jnp.float32)
    return {"x": x, "edges_pos": edges_pos, "edges_neg": edges_neg, "W1": W1, "a1": a1, "W2": W2, "a2": a2, "Wd": Wd}


def reference(x, edges_pos, edges_neg, W1, a1, W2, a2, Wd):
    n = x.shape[0]
    perm = jax.random.permutation(jax.random.key(42), n)
    pos = encoder(x, edges_pos, W1, a1, W2, a2)
    neg = encoder(x[perm], edges_pos, W1, a1, W2, a2)
    summary = jax.nn.sigmoid(jnp.mean(pos, axis=0))
    svec = Wd @ summary
    pos_logits = pos @ svec
    neg_logits = neg @ svec
    # BCEWithLogitsLoss(pos, ones) + BCEWithLogitsLoss(neg, zeros)
    l1 = jnp.mean(jax.nn.softplus(-pos_logits))
    l2 = jnp.mean(jax.nn.softplus(neg_logits))
    return l1 + l2

if __name__ == "__main__":
    import jax
    _d = setup_inputs()
    print(jax.jit(kernel)(*tuple(_d.values())))

</pallas_src>

<mosaic_0001>
#map = affine_map<(d0, d1) -> (0, 0)>
#map1 = affine_map<(d0, d1) -> (0)>
module attributes {stable_mosaic.version = 14 : i64} {
  func.func @_sc_propagate(%arg0: i32, %arg1: i32, %arg2: memref<10000x128xf32, #tpu.memory_space<hbm>>, %arg3: memref<10000x128xf32, #tpu.memory_space<hbm>>, %arg4: memref<331776xi32, #tpu.memory_space<hbm>>, %arg5: memref<331776xi32, #tpu.memory_space<hbm>>, %arg6: memref<128x128xf32, #tpu.memory_space<hbm>>, %arg7: memref<10240x128xf32, #tpu.memory_space<hbm>>, %arg8: memref<10240x128xf32, #tpu.memory_space<hbm>>, %arg9: memref<10240x128xf32, #tpu.memory_space<vmem_shared>>, %arg10: memref<128xi32, #tpu.memory_space<vmem>>, %arg11: memref<128xi32, #tpu.memory_space<vmem>>, %arg12: memref<128x128xf32, #tpu.memory_space<vmem>>, %arg13: memref<128x128xf32, #tpu.memory_space<vmem>>, %arg14: memref<!tpu.dma_semaphore, #tpu.memory_space<semaphore_mem>>) attributes {dimension_semantics = [#tpu.dimension_semantics<core_parallel>, #tpu.dimension_semantics<subcore_parallel>], iteration_bounds = array<i64: 2, 16>, scalar_prefetch = 0 : i64, scratch_operands = 6 : i64, tpu.core_type = #tpu.core_type<sc_vector_subcore>, window_params = [{transform_indices = #map}, {transform_indices = #map}, {transform_indices = #map1}, {transform_indices = #map1}, {transform_indices = #map}, {transform_indices = #map}, {transform_indices = #map}]} {
    %eq3A = arith.constant 0 : i32
    %eq3A_0 = arith.cmpi eq, %arg0, %eq3A : i32
    %convert_element_type3A = arith.extui %eq3A_0 : i1 to i32
    %cond3A = arith.constant 0 : i32
    %cond3A_1 = arith.cmpi ne, %convert_element_type3A, %cond3A : i32
    scf.if %cond3A_1 {
      "tpu.region"() ({
        %run_scoped3A = tpu.sem_alloc : memref<!tpu.dma_semaphore, #tpu.memory_space<semaphore_mem>>
        tpu.enqueue_dma source(%arg6 : memref<128x128xf32, #tpu.memory_space<hbm>>) target(%arg13 : memref<128x128xf32, #tpu.memory_space<vmem>>) target_semaphore(%run_scoped3A : memref<!tpu.dma_semaphore, #tpu.memory_space<semaphore_mem>>)
        tpu.wait_dma2 semaphore(%run_scoped3A : memref<!tpu.dma_semaphore, #tpu.memory_space<semaphore_mem>>) src(%arg6 : memref<128x128xf32, #tpu.memory_space<hbm>>) dst(%arg13 : memref<128x128xf32, #tpu.memory_space<vmem>>)
        tpu.yield
      }) : () -> ()
      %mul3A = arith.constant 640 : i32
      %mul3A_7 = arith.muli %arg1, %mul3A : i32
      %add3A = arith.constant 0 : i32
      %add3A_8 = arith.addi %mul3A_7, %add3A : i32
      "tpu.region"() ({
        %run_scoped3A = tpu.sem_alloc : memref<!tpu.dma_semaphore, #tpu.memory_space<semaphore_mem>>
        %dma_start3A = arith.constant 0 : i32
        %dma_start3A_35 = tpu.memref_slice %arg9[%add3A_8, %dma_start3A] : memref<10240x128xf32, #tpu.memory_space<vmem_shared>> -> memref<128x128xf32, #tpu.memory_space<vmem_shared>>
        %dma_start3A_36 = arith.constant 0 : i32
        %dma_start3A_37 = tpu.memref_slice %arg9[%add3A_8, %dma_start3A_36] : memref<10240x128xf32, #tpu.memory_space<vmem_shared>> -> memref<128x128xf32, #tpu.memory_space<vmem_shared>>
        tpu.enqueue_dma source(%arg13 : memref<128x128xf32, #tpu.memory_space<vmem>>) target(%dma_start3A_37 : memref<128x128xf32, #tpu.memory_space<vmem_shared>>) target_semaphore(%run_scoped3A : memref<!tpu.dma_semaphore, #tpu.memory_space<semaphore_mem>>)
        %dma_wait3A = arith.constant 0 : i32
        %dma_wait3A_38 = tpu.memref_slice %arg9[%add3A_8, %dma_wait3A] : memref<10240x128xf32, #tpu.memory_space<vmem_shared>> -> memref<128x128xf32, #tpu.memory_space<vmem_shared>>
        %dma_wait3A_39 = arith.constant 0 : i32
        %dma_wait3A_40 = tpu.memref_slice %arg9[%add3A_8, %dma_wait3A_39] : memref<10240x128xf32, #tpu.memory_space<vmem_shared>> -> memref<128x128xf32, #tpu.memory_space<vmem_shared>>
        tpu.wait_dma2 semaphore(%run_scoped3A : memref<!tpu.dma_semaphore, #tpu.memory_space<semaphore_mem>>) src(%arg13 : memref<128x128xf32, #tpu.memory_space<vmem>>) dst(%dma_wait3A_40 : memref<128x128xf32, #tpu.memory_space<vmem_shared>>)
        tpu.yield
      }) : () -> ()
      %mul3A_9 = arith.constant 640 : i32
      %mul3A_10 = arith.muli %arg1, %mul3A_9 : i32
      %add3A_11 = arith.constant 128 : i32
      %add3A_12 = arith.addi %mul3A_10, %add3A_11 : i32
      "tpu.region"() ({
        %run_scoped3A = tpu.sem_alloc : memref<!tpu.dma_semaphore, #tpu.memory_space<semaphore_mem>>
        %dma_start3A = arith.constant 0 : i32
        %dma_start3A_35 = tpu.memref_slice %arg9[%add3A_12, %dma_start3A] : memref<10240x128xf32, #tpu.memory_space<vmem_shared>> -> memref<128x128xf32, #tpu.memory_space<vmem_shared>>
        %dma_start3A_36 = arith.constant 0 : i32
        %dma_start3A_37 = tpu.memref_slice %arg9[%add3A_12, %dma_start3A_36] : memref<10240x128xf32, #tpu.memory_space<vmem_shared>> -> memref<128x128xf32, #tpu.memory_space<vmem_shared>>
        tpu.enqueue_dma source(%arg13 : memref<128x128xf32, #tpu.memory_space<vmem>>) target(%dma_start3A_37 : memref<128x128xf32, #tpu.memory_space<vmem_shared>>) target_semaphore(%run_scoped3A : memref<!tpu.dma_semaphore, #tpu.memory_space<semaphore_mem>>)
        %dma_wait3A = arith.constant 0 : i32
        %dma_wait3A_38 = tpu.memref_slice %arg9[%add3A_12, %dma_wait3A] : memref<10240x128xf32, #tpu.memory_space<vmem_shared>> -> memref<128x128xf32, #tpu.memory_space<vmem_shared>>
        %dma_wait3A_39 = arith.constant 0 : i32
        %dma_wait3A_40 = tpu.memref_slice %arg9[%add3A_12, %dma_wait3A_39] : memref<10240x128xf32, #tpu.memory_space<vmem_shared>> -> memref<128x128xf32, #tpu.memory_space<vmem_shared>>
        tpu.wait_dma2 semaphore(%run_scoped3A : memref<!tpu.dma_semaphore, #tpu.memory_space<semaphore_mem>>) src(%arg13 : memref<128x128xf32, #tpu.memory_space<vmem>>) dst(%dma_wait3A_40 : memref<128x128xf32, #tpu.memory_space<vmem_shared>>)
        tpu.yield
      }) : () -> ()
      %mul3A_13 = arith.constant 640 : i32
      %mul3A_14 = arith.muli %arg1, %mul3A_13 : i32
      %add3A_15 = arith.constant 256 : i32
      %add3A_16 = arith.addi %mul3A_14, %add3A_15 : i32
      "tpu.region"() ({
        %run_scoped3A = tpu.sem_alloc : memref<!tpu.dma_semaphore, #tpu.memory_space<semaphore_mem>>
        %dma_start3A = arith.constant 0 : i32
        %dma_start3A_35 = tpu.memref_slice %arg9[%add3A_16, %dma_start3A] : memref<10240x128xf32, #tpu.memory_space<vmem_shared>> -> memref<128x128xf32, #tpu.memory_space<vmem_shared>>
        %dma_start3A_36 = arith.constant 0 : i32
        %dma_start3A_37 = tpu.memref_slice %arg9[%add3A_16, %dma_start3A_36] : memref<10240x128xf32, #tpu.memory_space<vmem_shared>> -> memref<128x128xf32, #tpu.memory_space<vmem_shared>>
        tpu.enqueue_dma source(%arg13 : memref<128x128xf32, #tpu.memory_space<vmem>>) target(%dma_start3A_37 : memref<128x128xf32, #tpu.memory_space<vmem_shared>>) target_semaphore(%run_scoped3A : memref<!tpu.dma_semaphore, #tpu.memory_space<semaphore_mem>>)
        %dma_wait3A = arith.constant 0 : i32
        %dma_wait3A_38 = tpu.memref_slice %arg9[%add3A_16, %dma_wait3A] : memref<10240x128xf32, #tpu.memory_space<vmem_shared>> -> memref<128x128xf32, #tpu.memory_space<vmem_shared>>
        %dma_wait3A_39 = arith.constant 0 : i32
        %dma_wait3A_40 = tpu.memref_slice %arg9[%add3A_16, %dma_wait3A_39] : memref<10240x128xf32, #tpu.memory_space<vmem_shared>> -> memref<128x128xf32, #tpu.memory_space<vmem_shared>>
        tpu.wait_dma2 semaphore(%run_scoped3A : memref<!tpu.dma_semaphore, #tpu.memory_space<semaphore_mem>>) src(%arg13 : memref<128x128xf32, #tpu.memory_space<vmem>>) dst(%dma_wait3A_40 : memref<128x128xf32, #tpu.memory_space<vmem_shared>>)
        tpu.yield
      }) : () -> ()
      %mul3A_17 = arith.constant 640 : i32
      %mul3A_18 = arith.muli %arg1, %mul3A_17 : i32
      %add3A_19 = arith.constant 384 : i32
      %add3A_20 = arith.addi %mul3A_18, %add3A_19 : i32
      "tpu.region"() ({
        %run_scoped3A = tpu.sem_alloc : memref<!tpu.dma_semaphore, #tpu.memory_space<semaphore_mem>>
        %dma_start3A = arith.constant 0 : i32
        %dma_start3A_35 = tpu.memref_slice %arg9[%add3A_20, %dma_start3A] : memref<10240x128xf32, #tpu.memory_space<vmem_shared>> -> memref<128x128xf32, #tpu.memory_space<vmem_shared>>
        %dma_start3A_36 = arith.constant 0 : i32
        %dma_start3A_37 = tpu.memref_slice %arg9[%add3A_20, %dma_start3A_36] : memref<10240x128xf32, #tpu.memory_space<vmem_shared>> -> memref<128x128xf32, #tpu.memory_space<vmem_shared>>
        tpu.enqueue_dma source(%arg13 : memref<128x128xf32, #tpu.memory_space<vmem>>) target(%dma_start3A_37 : memref<128x128xf32, #tpu.memory_space<vmem_shared>>) target_semaphore(%run_scoped3A : memref<!tpu.dma_semaphore, #tpu.memory_space<semaphore_mem>>)
        %dma_wait3A = arith.constant 0 : i32
        %dma_wait3A_38 = tpu.memref_slice %arg9[%add3A_20, %dma_wait3A] : memref<10240x128xf32, #tpu.memory_space<vmem_shared>> -> memref<128x128xf32, #tpu.memory_space<vmem_shared>>
        %dma_wait3A_39 = arith.constant 0 : i32
        %dma_wait3A_40 = tpu.memref_slice %arg9[%add3A_20, %dma_wait3A_39] : memref<10240x128xf32, #tpu.memory_space<vmem_shared>> -> memref<128x128xf32, #tpu.memory_space<vmem_shared>>
        tpu.wait_dma2 semaphore(%run_scoped3A : memref<!tpu.dma_semaphore, #tpu.memory_space<semaphore_mem>>) src(%arg13 : memref<128x128xf32, #tpu.memory_space<vmem>>) dst(%dma_wait3A_40 : memref<128x128xf32, #tpu.memory_space<vmem_shared>>)
        tpu.yield
      }) : () -> ()
      %mul3A_21 = arith.constant 640 : i32
      %mul3A_22 = arith.muli %arg1, %mul3A_21 : i32
      %add3A_23 = arith.constant 512 : i32
      %add3A_24 = arith.addi %mul3A_22, %add3A_23 : i32
      "tpu.region"() ({
        %run_scoped3A = tpu.sem_alloc : memref<!tpu.dma_semaphore, #tpu.memory_space<semaphore_mem>>
        %dma_start3A = arith.constant 0 : i32
        %dma_start3A_35 = tpu.memref_slice %arg9[%add3A_24, %dma_start3A] : memref<10240x128xf32, #tpu.memory_space<vmem_shared>> -> memref<128x128xf32, #tpu.memory_space<vmem_shared>>
        %dma_start3A_36 = arith.constant 0 : i32
        %dma_start3A_37 = tpu.memref_slice %arg9[%add3A_24, %dma_start3A_36] : memref<10240x128xf32, #tpu.memory_space<vmem_shared>> -> memref<128x128xf32, #tpu.memory_space<vmem_shared>>
        tpu.enqueue_dma source(%arg13 : memref<128x128xf32, #tpu.memory_space<vmem>>) target(%dma_start3A_37 : memref<128x128xf32, #tpu.memory_space<vmem_shared>>) target_semaphore(%run_scoped3A : memref<!tpu.dma_semaphore, #tpu.memory_space<semaphore_mem>>)
        %dma_wait3A = arith.constant 0 : i32
        %dma_wait3A_38 = tpu.memref_slice %arg9[%add3A_24, %dma_wait3A] : memref<10240x128xf32, #tpu.memory_space<vmem_shared>> -> memref<128x128xf32, #tpu.memory_space<vmem_shared>>
        %dma_wait3A_39 = arith.constant 0 : i32
        %dma_wait3A_40 = tpu.memref_slice %arg9[%add3A_24, %dma_wait3A_39] : memref<10240x128xf32, #tpu.memory_space<vmem_shared>> -> memref<128x128xf32, #tpu.memory_space<vmem_shared>>
        tpu.wait_dma2 semaphore(%run_scoped3A : memref<!tpu.dma_semaphore, #tpu.memory_space<semaphore_mem>>) src(%arg13 : memref<128x128xf32, #tpu.memory_space<vmem>>) dst(%dma_wait3A_40 : memref<128x128xf32, #tpu.memory_space<vmem_shared>>)
        tpu.yield
      }) : () -> ()
      %barrier3A = arith.constant 0 : index
      tpu.barrier barrier_id(%barrier3A)
      %scan3A = arith.constant 0 : i32
      %scan3A_25 = arith.constant 0 : i32
      %scan3A_26 = arith.constant 162 : i32
      %scan3A_27 = arith.addi %scan3A_25, %scan3A_26 : i32
      %scan3A_28 = arith.constant 1 : i32
      scf.for %scan3A_35 = %scan3A_25 to %scan3A_27 step %scan3A_28  : i32 {
        %mul3A_36 = arith.constant 20736 : i32
        %mul3A_37 = arith.muli %arg1, %mul3A_36 : i32
        %mul3A_38 = arith.constant 128 : i32
        %mul3A_39 = arith.muli %scan3A_35, %mul3A_38 : i32
        %add3A_40 = arith.addi %mul3A_37, %mul3A_39 : i32
        "tpu.region"() ({
          %run_scoped3A = tpu.sem_alloc : memref<!tpu.dma_semaphore, #tpu.memory_space<semaphore_mem>>
          %dma_start3A_45 = tpu.memref_slice %arg4[%add3A_40] : memref<331776xi32, #tpu.memory_space<hbm>> -> memref<128xi32, #tpu.memory_space<hbm>>
          %dma_start3A_46 = tpu.memref_slice %arg4[%add3A_40] : memref<331776xi32, #tpu.memory_space<hbm>> -> memref<128xi32, #tpu.memory_space<hbm>>
          tpu.enqueue_dma source(%dma_start3A_46 : memref<128xi32, #tpu.memory_space<hbm>>) target(%arg10 : memref<128xi32, #tpu.memory_space<vmem>>) target_semaphore(%run_scoped3A : memref<!tpu.dma_semaphore, #tpu.memory_space<semaphore_mem>>)
          %dma_wait3A_47 = tpu.memref_slice %arg4[%add3A_40] : memref<331776xi32, #tpu.memory_space<hbm>> -> memref<128xi32, #tpu.memory_space<hbm>>
          %dma_wait3A_48 = tpu.memref_slice %arg4[%add3A_40] : memref<331776xi32, #tpu.memory_space<hbm>> -> memref<128xi32, #tpu.memory_space<hbm>>
          tpu.wait_dma2 semaphore(%run_scoped3A : memref<!tpu.dma_semaphore, #tpu.memory_space<semaphore_mem>>) src(%dma_wait3A_48 : memref<128xi32, #tpu.memory_space<hbm>>) dst(%arg10 : memref<128xi32, #tpu.memory_space<vmem>>)
          tpu.yield
        }) : () -> ()
        "tpu.region"() ({
          %run_scoped3A = tpu.sem_alloc : memref<!tpu.dma_semaphore, #tpu.memory_space<semaphore_mem>>
          %dma_start3A_45 = tpu.memref_slice %arg5[%add3A_40] : memref<331776xi32, #tpu.memory_space<hbm>> -> memref<128xi32, #tpu.memory_space<hbm>>
          %dma_start3A_46 = tpu.memref_slice %arg5[%add3A_40] : memref<331776xi32, #tpu.memory_space<hbm>> -> memref<128xi32, #tpu.memory_space<hbm>>
          tpu.enqueue_dma source(%dma_start3A_46 : memref<128xi32, #tpu.memory_space<hbm>>) target(%arg11 : memref<128xi32, #tpu.memory_space<vmem>>) target_semaphore(%run_scoped3A : memref<!tpu.dma_semaphore, #tpu.memory_space<semaphore_mem>>)
          %dma_wait3A_47 = tpu.memref_slice %arg5[%add3A_40] : memref<331776xi32, #tpu.memory_space<hbm>> -> memref<128xi32, #tpu.memory_space<hbm>>
          %dma_wait3A_48 = tpu.memref_slice %arg5[%add3A_40] : memref<331776xi32, #tpu.memory_space<hbm>> -> memref<128xi32, #tpu.memory_space<hbm>>
          tpu.wait_dma2 semaphore(%run_scoped3A : memref<!tpu.dma_semaphore, #tpu.memory_space<semaphore_mem>>) src(%dma_wait3A_48 : memref<128xi32, #tpu.memory_space<hbm>>) dst(%arg11 : memref<128xi32, #tpu.memory_space<vmem>>)
          tpu.yield
        }) : () -> ()
        %dma_start3A = arith.constant 0 : i32
        %dma_start3A_41 = arith.constant 0 : i32
        %dma_start3A_42 = tpu.memref_slice %arg2[%dma_start3A, %dma_start3A_41] : memref<10000x128xf32, #tpu.memory_space<hbm>> -> memref<10000x128xf32, #tpu.memory_space<hbm>>
        tpu.enqueue_indirect_dma source(%dma_start3A_42 : memref<10000x128xf32, #tpu.memory_space<hbm>>) target(%arg12 : memref<128x128xf32, #tpu.memory_space<vmem>>) offsets(%arg10 : memref<128xi32, #tpu.memory_space<vmem>>) semaphore(%arg14 : memref<!tpu.dma_semaphore, #tpu.memory_space<semaphore_mem>>)
        %dma_wait3A = arith.constant 0 : i32
        %dma_wait3A_43 = arith.constant 0 : i32
        %dma_wait3A_44 = tpu.memref_slice %arg2[%dma_wait3A, %dma_wait3A_43] : memref<10000x128xf32, #tpu.memory_space<hbm>> -> memref<10000x128xf32, #tpu.memory_space<hbm>>
        tpu.wait_indirect_dma semaphore(%arg14 : memref<!tpu.dma_semaphore, #tpu.memory_space<semaphore_mem>>) src(%dma_wait3A_44 : memref<10000x128xf32, #tpu.memory_space<hbm>>) dst(%arg12 : memref<128x128xf32, #tpu.memory_space<vmem>>)
        "tpu.region"() ({
          %run_scoped3A = tpu.sem_alloc : memref<!tpu.dma_semaphore, #tpu.memory_space<semaphore_mem>>
          %dma_start3A_45 = arith.constant 0 : i32
          %dma_start3A_46 = arith.constant 0 : i32
          %dma_start3A_47 = tpu.memref_slice %arg9[%dma_start3A_45, %dma_start3A_46] : memref<10240x128xf32, #tpu.memory_space<vmem_shared>> -> memref<10240x128xf32, #tpu.memory_space<vmem_shared>>
          tpu.enqueue_indirect_dma source(%arg12 : memref<128x128xf32, #tpu.memory_space<vmem>>) target(%dma_start3A_47 : memref<10240x128xf32, #tpu.memory_space<vmem_shared>>) offsets(%arg11 : memref<128xi32, #tpu.memory_space<vmem>>) semaphore(%run_scoped3A : memref<!tpu.dma_semaphore, #tpu.memory_space<semaphore_mem>>) {add = true}
          %dma_wait3A_48 = arith.constant 0 : i32
          %dma_wait3A_49 = arith.constant 0 : i32
          %dma_wait3A_50 = tpu.memref_slice %arg9[%dma_wait3A_48, %dma_wait3A_49] : memref<10240x128xf32, #tpu.memory_space<vmem_shared>> -> memref<10240x128xf32, #tpu.memory_space<vmem_shared>>
          tpu.wait_indirect_dma semaphore(%run_scoped3A : memref<!tpu.dma_semaphore, #tpu.memory_space<semaphore_mem>>) src(%arg12 : memref<128x128xf32, #tpu.memory_space<vmem>>) dst(%dma_wait3A_50 : memref<10240x128xf32, #tpu.memory_space<vmem_shared>>)
          tpu.yield
        }) : () -> ()
      }
      %scan3A_29 = arith.constant 162 : i32
      %barrier3A_30 = arith.constant 0 : index
      tpu.barrier barrier_id(%barrier3A_30)
      %mul3A_31 = arith.constant 640 : i32
      %mul3A_32 = arith.muli %arg1, %mul3A_31 : i32
      %mul3A_33 = arith.constant 640 : i32
      %mul3A_34 = arith.muli %arg1, %mul3A_33 : i32
      "tpu.region"() ({
        %run_scoped3A = tpu.sem_alloc : memref<!tpu.dma_semaphore, #tpu.memory_space<semaphore_mem>>
        %dma_start3A = arith.constant 0 : i32
        %dma_start3A_35 = tpu.memref_slice %arg7[%mul3A_34, %dma_start3A] : memref<10240x128xf32, #tpu.memory_space<hbm>> -> memref<640x128xf32, #tpu.memory_space<hbm>>
        %dma_start3A_36 = arith.constant 0 : i32
        %dma_start3A_37 = tpu.memref_slice %arg9[%mul3A_32, %dma_start3A_36] : memref<10240x128xf32, #tpu.memory_space<vmem_shared>> -> memref<640x128xf32, #tpu.memory_space<vmem_shared>>
        tpu.enqueue_dma source(%dma_start3A_37 : memref<640x128xf32, #tpu.memory_space<vmem_shared>>) target(%dma_start3A_35 : memref<640x128xf32, #tpu.memory_space<hbm>>) target_semaphore(%run_scoped3A : memref<!tpu.dma_semaphore, #tpu.memory_space<semaphore_mem>>)
        %dma_wait3A = arith.constant 0 : i32
        %dma_wait3A_38 = tpu.memref_slice %arg7[%mul3A_34, %dma_wait3A] : memref<10240x128xf32, #tpu.memory_space<hbm>> -> memref<640x128xf32, #tpu.memory_space<hbm>>
        %dma_wait3A_39 = arith.constant 0 : i32
        %dma_wait3A_40 = tpu.memref_slice %arg9[%mul3A_32, %dma_wait3A_39] : memref<10240x128xf32, #tpu.memory_space<vmem_shared>> -> memref<640x128xf32, #tpu.memory_space<vmem_shared>>
        tpu.wait_dma2 semaphore(%run_scoped3A : memref<!tpu.dma_semaphore, #tpu.memory_space<semaphore_mem>>) src(%dma_wait3A_40 : memref<640x128xf32, #tpu.memory_space<vmem_shared>>) dst(%dma_wait3A_38 : memref<640x128xf32, #tpu.memory_space<hbm>>)
        tpu.yield
      }) : () -> ()
    } else {
    }
    %eq3A_2 = arith.constant 1 : i32
    %eq3A_3 = arith.cmpi eq, %arg0, %eq3A_2 : i32
    %convert_element_type3A_4 = arith.extui %eq3A_3 : i1 to i32
    %cond3A_5 = arith.constant 0 : i32
    %cond3A_6 = arith.cmpi ne, %convert_element_type3A_4, %cond3A_5 : i32
    scf.if %cond3A_6 {
      "tpu.region"() ({
        %run_scoped3A = tpu.sem_alloc : memref<!tpu.dma_semaphore, #tpu.memory_space<semaphore_mem>>
        tpu.enqueue_dma source(%arg6 : memref<128x128xf32, #tpu.memory_space<hbm>>) target(%arg13 : memref<128x128xf32, #tpu.memory_space<vmem>>) target_semaphore(%run_scoped3A : memref<!tpu.dma_semaphore, #tpu.memory_space<semaphore_mem>>)
        tpu.wait_dma2 semaphore(%run_scoped3A : memref<!tpu.dma_semaphore, #tpu.memory_space<semaphore_mem>>) src(%arg6 : memref<128x128xf32, #tpu.memory_space<hbm>>) dst(%arg13 : memref<128x128xf32, #tpu.memory_space<vmem>>)
        tpu.yield
      }) : () -> ()
      %mul3A = arith.constant 640 : i32
      %mul3A_7 = arith.muli %arg1, %mul3A : i32
      %add3A = arith.constant 0 : i32
      %add3A_8 = arith.addi %mul3A_7, %add3A : i32
      "tpu.region"() ({
        %run_scoped3A = tpu.sem_alloc : memref<!tpu.dma_semaphore, #tpu.memory_space<semaphore_mem>>
        %dma_start3A = arith.constant 0 : i32
        %dma_start3A_35 = tpu.memref_slice %arg9[%add3A_8, %dma_start3A] : memref<10240x128xf32, #tpu.memory_space<vmem_shared>> -> memref<128x128xf32, #tpu.memory_space<vmem_shared>>
        %dma_start3A_36 = arith.constant 0 : i32
        %dma_start3A_37 = tpu.memref_slice %arg9[%add3A_8, %dma_start3A_36] : memref<10240x128xf32, #tpu.memory_space<vmem_shared>> -> memref<128x128xf32, #tpu.memory_space<vmem_shared>>
        tpu.enqueue_dma source(%arg13 : memref<128x128xf32, #tpu.memory_space<vmem>>) target(%dma_start3A_37 : memref<128x128xf32, #tpu.memory_space<vmem_shared>>) target_semaphore(%run_scoped3A : memref<!tpu.dma_semaphore, #tpu.memory_space<semaphore_mem>>)
        %dma_wait3A = arith.constant 0 : i32
        %dma_wait3A_38 = tpu.memref_slice %arg9[%add3A_8, %dma_wait3A] : memref<10240x128xf32, #tpu.memory_space<vmem_shared>> -> memref<128x128xf32, #tpu.memory_space<vmem_shared>>
        %dma_wait3A_39 = arith.constant 0 : i32
        %dma_wait3A_40 = tpu.memref_slice %arg9[%add3A_8, %dma_wait3A_39] : memref<10240x128xf32, #tpu.memory_space<vmem_shared>> -> memref<128x128xf32, #tpu.memory_space<vmem_shared>>
        tpu.wait_dma2 semaphore(%run_scoped3A : memref<!tpu.dma_semaphore, #tpu.memory_space<semaphore_mem>>) src(%arg13 : memref<128x128xf32, #tpu.memory_space<vmem>>) dst(%dma_wait3A_40 : memref<128x128xf32, #tpu.memory_space<vmem_shared>>)
        tpu.yield
      }) : () -> ()
      %mul3A_9 = arith.constant 640 : i32
      %mul3A_10 = arith.muli %arg1, %mul3A_9 : i32
      %add3A_11 = arith.constant 128 : i32
      %add3A_12 = arith.addi %mul3A_10, %add3A_11 : i32
      "tpu.region"() ({
        %run_scoped3A = tpu.sem_alloc : memref<!tpu.dma_semaphore, #tpu.memory_space<semaphore_mem>>
        %dma_start3A = arith.constant 0 : i32
        %dma_start3A_35 = tpu.memref_slice %arg9[%add3A_12, %dma_start3A] : memref<10240x128xf32, #tpu.memory_space<vmem_shared>> -> memref<128x128xf32, #tpu.memory_space<vmem_shared>>
        %dma_start3A_36 = arith.constant 0 : i32
        %dma_start3A_37 = tpu.memref_slice %arg9[%add3A_12, %dma_start3A_36] : memref<10240x128xf32, #tpu.memory_space<vmem_shared>> -> memref<128x128xf32, #tpu.memory_space<vmem_shared>>
        tpu.enqueue_dma source(%arg13 : memref<128x128xf32, #tpu.memory_space<vmem>>) target(%dma_start3A_37 : memref<128x128xf32, #tpu.memory_space<vmem_shared>>) target_semaphore(%run_scoped3A : memref<!tpu.dma_semaphore, #tpu.memory_space<semaphore_mem>>)
        %dma_wait3A = arith.constant 0 : i32
        %dma_wait3A_38 = tpu.memref_slice %arg9[%add3A_12, %dma_wait3A] : memref<10240x128xf32, #tpu.memory_space<vmem_shared>> -> memref<128x128xf32, #tpu.memory_space<vmem_shared>>
        %dma_wait3A_39 = arith.constant 0 : i32
        %dma_wait3A_40 = tpu.memref_slice %arg9[%add3A_12, %dma_wait3A_39] : memref<10240x128xf32, #tpu.memory_space<vmem_shared>> -> memref<128x128xf32, #tpu.memory_space<vmem_shared>>
        tpu.wait_dma2 semaphore(%run_scoped3A : memref<!tpu.dma_semaphore, #tpu.memory_space<semaphore_mem>>) src(%arg13 : memref<128x128xf32, #tpu.memory_space<vmem>>) dst(%dma_wait3A_40 : memref<128x128xf32, #tpu.memory_space<vmem_shared>>)
        tpu.yield
      }) : () -> ()
      %mul3A_13 = arith.constant 640 : i32
      %mul3A_14 = arith.muli %arg1, %mul3A_13 : i32
      %add3A_15 = arith.constant 256 : i32
      %add3A_16 = arith.addi %mul3A_14, %add3A_15 : i32
      "tpu.region"() ({
        %run_scoped3A = tpu.sem_alloc : memref<!tpu.dma_semaphore, #tpu.memory_space<semaphore_mem>>
        %dma_start3A = arith.constant 0 : i32
        %dma_start3A_35 = tpu.memref_slice %arg9[%add3A_16, %dma_start3A] : memref<10240x128xf32, #tpu.memory_space<vmem_shared>> -> memref<128x128xf32, #tpu.memory_space<vmem_shared>>
        %dma_start3A_36 = arith.constant 0 : i32
        %dma_start3A_37 = tpu.memref_slice %arg9[%add3A_16, %dma_start3A_36] : memref<10240x128xf32, #tpu.memory_space<vmem_shared>> -> memref<128x128xf32, #tpu.memory_space<vmem_shared>>
        tpu.enqueue_dma source(%arg13 : memref<128x128xf32, #tpu.memory_space<vmem>>) target(%dma_start3A_37 : memref<128x128xf32, #tpu.memory_space<vmem_shared>>) target_semaphore(%run_scoped3A : memref<!tpu.dma_semaphore, #tpu.memory_space<semaphore_mem>>)
        %dma_wait3A = arith.constant 0 : i32
        %dma_wait3A_38 = tpu.memref_slice %arg9[%add3A_16, %dma_wait3A] : memref<10240x128xf32, #tpu.memory_space<vmem_shared>> -> memref<128x128xf32, #tpu.memory_space<vmem_shared>>
        %dma_wait3A_39 = arith.constant 0 : i32
        %dma_wait3A_40 = tpu.memref_slice %arg9[%add3A_16, %dma_wait3A_39] : memref<10240x128xf32, #tpu.memory_space<vmem_shared>> -> memref<128x128xf32, #tpu.memory_space<vmem_shared>>
        tpu.wait_dma2 semaphore(%run_scoped3A : memref<!tpu.dma_semaphore, #tpu.memory_space<semaphore_mem>>) src(%arg13 : memref<128x128xf32, #tpu.memory_space<vmem>>) dst(%dma_wait3A_40 : memref<128x128xf32, #tpu.memory_space<vmem_shared>>)
        tpu.yield
      }) : () -> ()
      %mul3A_17 = arith.constant 640 : i32
      %mul3A_18 = arith.muli %arg1, %mul3A_17 : i32
      %add3A_19 = arith.constant 384 : i32
      %add3A_20 = arith.addi %mul3A_18, %add3A_19 : i32
      "tpu.region"() ({
        %run_scoped3A = tpu.sem_alloc : memref<!tpu.dma_semaphore, #tpu.memory_space<semaphore_mem>>
        %dma_start3A = arith.constant 0 : i32
        %dma_start3A_35 = tpu.memref_slice %arg9[%add3A_20, %dma_start3A] : memref<10240x128xf32, #tpu.memory_space<vmem_shared>> -> memref<128x128xf32, #tpu.memory_space<vmem_shared>>
        %dma_start3A_36 = arith.constant 0 : i32
        %dma_start3A_37 = tpu.memref_slice %arg9[%add3A_20, %dma_start3A_36] : memref<10240x128xf32, #tpu.memory_space<vmem_shared>> -> memref<128x128xf32, #tpu.memory_space<vmem_shared>>
        tpu.enqueue_dma source(%arg13 : memref<128x128xf32, #tpu.memory_space<vmem>>) target(%dma_start3A_37 : memref<128x128xf32, #tpu.memory_space<vmem_shared>>) target_semaphore(%run_scoped3A : memref<!tpu.dma_semaphore, #tpu.memory_space<semaphore_mem>>)
        %dma_wait3A = arith.constant 0 : i32
        %dma_wait3A_38 = tpu.memref_slice %arg9[%add3A_20, %dma_wait3A] : memref<10240x128xf32, #tpu.memory_space<vmem_shared>> -> memref<128x128xf32, #tpu.memory_space<vmem_shared>>
        %dma_wait3A_39 = arith.constant 0 : i32
        %dma_wait3A_40 = tpu.memref_slice %arg9[%add3A_20, %dma_wait3A_39] : memref<10240x128xf32, #tpu.memory_space<vmem_shared>> -> memref<128x128xf32, #tpu.memory_space<vmem_shared>>
        tpu.wait_dma2 semaphore(%run_scoped3A : memref<!tpu.dma_semaphore, #tpu.memory_space<semaphore_mem>>) src(%arg13 : memref<128x128xf32, #tpu.memory_space<vmem>>) dst(%dma_wait3A_40 : memref<128x128xf32, #tpu.memory_space<vmem_shared>>)
        tpu.yield
      }) : () -> ()
      %mul3A_21 = arith.constant 640 : i32
      %mul3A_22 = arith.muli %arg1, %mul3A_21 : i32
      %add3A_23 = arith.constant 512 : i32
      %add3A_24 = arith.addi %mul3A_22, %add3A_23 : i32
      "tpu.region"() ({
        %run_scoped3A = tpu.sem_alloc : memref<!tpu.dma_semaphore, #tpu.memory_space<semaphore_mem>>
        %dma_start3A = arith.constant 0 : i32
        %dma_start3A_35 = tpu.memref_slice %arg9[%add3A_24, %dma_start3A] : memref<10240x128xf32, #tpu.memory_space<vmem_shared>> -> memref<128x128xf32, #tpu.memory_space<vmem_shared>>
        %dma_start3A_36 = arith.constant 0 : i32
        %dma_start3A_37 = tpu.memref_slice %arg9[%add3A_24, %dma_start3A_36] : memref<10240x128xf32, #tpu.memory_space<vmem_shared>> -> memref<128x128xf32, #tpu.memory_space<vmem_shared>>
        tpu.enqueue_dma source(%arg13 : memref<128x128xf32, #tpu.memory_space<vmem>>) target(%dma_start3A_37 : memref<128x128xf32, #tpu.memory_space<vmem_shared>>) target_semaphore(%run_scoped3A : memref<!tpu.dma_semaphore, #tpu.memory_space<semaphore_mem>>)
        %dma_wait3A = arith.constant 0 : i32
        %dma_wait3A_38 = tpu.memref_slice %arg9[%add3A_24, %dma_wait3A] : memref<10240x128xf32, #tpu.memory_space<vmem_shared>> -> memref<128x128xf32, #tpu.memory_space<vmem_shared>>
        %dma_wait3A_39 = arith.constant 0 : i32
        %dma_wait3A_40 = tpu.memref_slice %arg9[%add3A_24, %dma_wait3A_39] : memref<10240x128xf32, #tpu.memory_space<vmem_shared>> -> memref<128x128xf32, #tpu.memory_space<vmem_shared>>
        tpu.wait_dma2 semaphore(%run_scoped3A : memref<!tpu.dma_semaphore, #tpu.memory_space<semaphore_mem>>) src(%arg13 : memref<128x128xf32, #tpu.memory_space<vmem>>) dst(%dma_wait3A_40 : memref<128x128xf32, #tpu.memory_space<vmem_shared>>)
        tpu.yield
      }) : () -> ()
      %barrier3A = arith.constant 0 : index
      tpu.barrier barrier_id(%barrier3A)
      %scan3A = arith.constant 0 : i32
      %scan3A_25 = arith.constant 0 : i32
      %scan3A_26 = arith.constant 162 : i32
      %scan3A_27 = arith.addi %scan3A_25, %scan3A_26 : i32
      %scan3A_28 = arith.constant 1 : i32
      scf.for %scan3A_35 = %scan3A_25 to %scan3A_27 step %scan3A_28  : i32 {
        %mul3A_36 = arith.constant 20736 : i32
        %mul3A_37 = arith.muli %arg1, %mul3A_36 : i32
        %mul3A_38 = arith.constant 128 : i32
        %mul3A_39 = arith.muli %scan3A_35, %mul3A_38 : i32
        %add3A_40 = arith.addi %mul3A_37, %mul3A_39 : i32
        "tpu.region"() ({
          %run_scoped3A = tpu.sem_alloc : memref<!tpu.dma_semaphore, #tpu.memory_space<semaphore_mem>>
          %dma_start3A_45 = tpu.memref_slice %arg4[%add3A_40] : memref<331776xi32, #tpu.memory_space<hbm>> -> memref<128xi32, #tpu.memory_space<hbm>>
          %dma_start3A_46 = tpu.memref_slice %arg4[%add3A_40] : memref<331776xi32, #tpu.memory_space<hbm>> -> memref<128xi32, #tpu.memory_space<hbm>>
          tpu.enqueue_dma source(%dma_start3A_46 : memref<128xi32, #tpu.memory_space<hbm>>) target(%arg10 : memref<128xi32, #tpu.memory_space<vmem>>) target_semaphore(%run_scoped3A : memref<!tpu.dma_semaphore, #tpu.memory_space<semaphore_mem>>)
          %dma_wait3A_47 = tpu.memref_slice %arg4[%add3A_40] : memref<331776xi32, #tpu.memory_space<hbm>> -> memref<128xi32, #tpu.memory_space<hbm>>
          %dma_wait3A_48 = tpu.memref_slice %arg4[%add3A_40] : memref<331776xi32, #tpu.memory_space<hbm>> -> memref<128xi32, #tpu.memory_space<hbm>>
          tpu.wait_dma2 semaphore(%run_scoped3A : memref<!tpu.dma_semaphore, #tpu.memory_space<semaphore_mem>>) src(%dma_wait3A_48 : memref<128xi32, #tpu.memory_space<hbm>>) dst(%arg10 : memref<128xi32, #tpu.memory_space<vmem>>)
          tpu.yield
        }) : () -> ()
        "tpu.region"() ({
          %run_scoped3A = tpu.sem_alloc : memref<!tpu.dma_semaphore, #tpu.memory_space<semaphore_mem>>
          %dma_start3A_45 = tpu.memref_slice %arg5[%add3A_40] : memref<331776xi32, #tpu.memory_space<hbm>> -> memref<128xi32, #tpu.memory_space<hbm>>
          %dma_start3A_46 = tpu.memref_slice %arg5[%add3A_40] : memref<331776xi32, #tpu.memory_space<hbm>> -> memref<128xi32, #tpu.memory_space<hbm>>
          tpu.enqueue_dma source(%dma_start3A_46 : memref<128xi32, #tpu.memory_space<hbm>>) target(%arg11 : memref<128xi32, #tpu.memory_space<vmem>>) target_semaphore(%run_scoped3A : memref<!tpu.dma_semaphore, #tpu.memory_space<semaphore_mem>>)
          %dma_wait3A_47 = tpu.memref_slice %arg5[%add3A_40] : memref<331776xi32, #tpu.memory_space<hbm>> -> memref<128xi32, #tpu.memory_space<hbm>>
          %dma_wait3A_48 = tpu.memref_slice %arg5[%add3A_40] : memref<331776xi32, #tpu.memory_space<hbm>> -> memref<128xi32, #tpu.memory_space<hbm>>
          tpu.wait_dma2 semaphore(%run_scoped3A : memref<!tpu.dma_semaphore, #tpu.memory_space<semaphore_mem>>) src(%dma_wait3A_48 : memref<128xi32, #tpu.memory_space<hbm>>) dst(%arg11 : memref<128xi32, #tpu.memory_space<vmem>>)
          tpu.yield
        }) : () -> ()
        %dma_start3A = arith.constant 0 : i32
        %dma_start3A_41 = arith.constant 0 : i32
        %dma_start3A_42 = tpu.memref_slice %arg3[%dma_start3A, %dma_start3A_41] : memref<10000x128xf32, #tpu.memory_space<hbm>> -> memref<10000x128xf32, #tpu.memory_space<hbm>>
        tpu.enqueue_indirect_dma source(%dma_start3A_42 : memref<10000x128xf32, #tpu.memory_space<hbm>>) target(%arg12 : memref<128x128xf32, #tpu.memory_space<vmem>>) offsets(%arg10 : memref<128xi32, #tpu.memory_space<vmem>>) semaphore(%arg14 : memref<!tpu.dma_semaphore, #tpu.memory_space<semaphore_mem>>)
        %dma_wait3A = arith.constant 0 : i32
        %dma_wait3A_43 = arith.constant 0 : i32
        %dma_wait3A_44 = tpu.memref_slice %arg3[%dma_wait3A, %dma_wait3A_43] : memref<10000x128xf32, #tpu.memory_space<hbm>> -> memref<10000x128xf32, #tpu.memory_space<hbm>>
        tpu.wait_indirect_dma semaphore(%arg14 : memref<!tpu.dma_semaphore, #tpu.memory_space<semaphore_mem>>) src(%dma_wait3A_44 : memref<10000x128xf32, #tpu.memory_space<hbm>>) dst(%arg12 : memref<128x128xf32, #tpu.memory_space<vmem>>)
        "tpu.region"() ({
          %run_scoped3A = tpu.sem_alloc : memref<!tpu.dma_semaphore, #tpu.memory_space<semaphore_mem>>
          %dma_start3A_45 = arith.constant 0 : i32
          %dma_start3A_46 = arith.constant 0 : i32
          %dma_start3A_47 = tpu.memref_slice %arg9[%dma_start3A_45, %dma_start3A_46] : memref<10240x128xf32, #tpu.memory_space<vmem_shared>> -> memref<10240x128xf32, #tpu.memory_space<vmem_shared>>
          tpu.enqueue_indirect_dma source(%arg12 : memref<128x128xf32, #tpu.memory_space<vmem>>) target(%dma_start3A_47 : memref<10240x128xf32, #tpu.memory_space<vmem_shared>>) offsets(%arg11 : memref<128xi32, #tpu.memory_space<vmem>>) semaphore(%run_scoped3A : memref<!tpu.dma_semaphore, #tpu.memory_space<semaphore_mem>>) {add = true}
          %dma_wait3A_48 = arith.constant 0 : i32
          %dma_wait3A_49 = arith.constant 0 : i32
          %dma_wait3A_50 = tpu.memref_slice %arg9[%dma_wait3A_48, %dma_wait3A_49] : memref<10240x128xf32, #tpu.memory_space<vmem_shared>> -> memref<10240x128xf32, #tpu.memory_space<vmem_shared>>
          tpu.wait_indirect_dma semaphore(%run_scoped3A : memref<!tpu.dma_semaphore, #tpu.memory_space<semaphore_mem>>) src(%arg12 : memref<128x128xf32, #tpu.memory_space<vmem>>) dst(%dma_wait3A_50 : memref<10240x128xf32, #tpu.memory_space<vmem_shared>>)
          tpu.yield
        }) : () -> ()
      }
      %scan3A_29 = arith.constant 162 : i32
      %barrier3A_30 = arith.constant 0 : index
      tpu.barrier barrier_id(%barrier3A_30)
      %mul3A_31 = arith.constant 640 : i32
      %mul3A_32 = arith.muli %arg1, %mul3A_31 : i32
      %mul3A_33 = arith.constant 640 : i32
      %mul3A_34 = arith.muli %arg1, %mul3A_33 : i32
      "tpu.region"() ({
        %run_scoped3A = tpu.sem_alloc : memref<!tpu.dma_semaphore, #tpu.memory_space<semaphore_mem>>
        %dma_start3A = arith.constant 0 : i32
        %dma_start3A_35 = tpu.memref_slice %arg8[%mul3A_34, %dma_start3A] : memref<10240x128xf32, #tpu.memory_space<hbm>> -> memref<640x128xf32, #tpu.memory_space<hbm>>
        %dma_start3A_36 = arith.constant 0 : i32
        %dma_start3A_37 = tpu.memref_slice %arg9[%mul3A_32, %dma_start3A_36] : memref<10240x128xf32, #tpu.memory_space<vmem_shared>> -> memref<640x128xf32, #tpu.memory_space<vmem_shared>>
        tpu.enqueue_dma source(%dma_start3A_37 : memref<640x128xf32, #tpu.memory_space<vmem_shared>>) target(%dma_start3A_35 : memref<640x128xf32, #tpu.memory_space<hbm>>) target_semaphore(%run_scoped3A : memref<!tpu.dma_semaphore, #tpu.memory_space<semaphore_mem>>)
        %dma_wait3A = arith.constant 0 : i32
        %dma_wait3A_38 = tpu.memref_slice %arg8[%mul3A_34, %dma_wait3A] : memref<10240x128xf32, #tpu.memory_space<hbm>> -> memref<640x128xf32, #tpu.memory_space<hbm>>
        %dma_wait3A_39 = arith.constant 0 : i32
        %dma_wait3A_40 = tpu.memref_slice %arg9[%mul3A_32, %dma_wait3A_39] : memref<10240x128xf32, #tpu.memory_space<vmem_shared>> -> memref<640x128xf32, #tpu.memory_space<vmem_shared>>
        tpu.wait_dma2 semaphore(%run_scoped3A : memref<!tpu.dma_semaphore, #tpu.memory_space<semaphore_mem>>) src(%dma_wait3A_40 : memref<640x128xf32, #tpu.memory_space<vmem_shared>>) dst(%dma_wait3A_38 : memref<640x128xf32, #tpu.memory_space<hbm>>)
        tpu.yield
      }) : () -> ()
    } else {
    }
    return
  }
}

#map = affine_map<(d0, d1) -> (0, 0)>
#map1 = affine_map<(d0, d1) -> (0)>
module attributes {stable_mosaic.version = 14 : i64} {
  func.func @_sc_prep(%arg0: i32, %arg1: i32, %arg2: memref<10000x128xf32, #tpu.memory_space<hbm>>, %arg3: memref<10240xi32, #tpu.memory_space<hbm>>, %arg4: memref<331776xi32, #tpu.memory_space<hbm>>, %arg5: memref<128x16xf32, #tpu.memory_space<hbm>>, %arg6: memref<128x16xf32, #tpu.memory_space<hbm>>, %arg7: memref<10240x128xf32, #tpu.memory_space<hbm>>, %arg8: memref<10240x16xf32, #tpu.memory_space<hbm>>, %arg9: memref<10240x16xf32, #tpu.memory_space<vmem_shared>>, %arg10: memref<128xi32, #tpu.memory_space<vmem>>, %arg11: memref<128x128xf32, #tpu.memory_space<vmem>>, %arg12: memref<128x16xf32, #tpu.memory_space<vmem>>, %arg13: memref<128x16xf32, #tpu.memory_space<vmem>>, %arg14: memref<!tpu.dma_semaphore, #tpu.memory_space<semaphore_mem>>) attributes {dimension_semantics = [#tpu.dimension_semantics<core_parallel>, #tpu.dimension_semantics<subcore_parallel>], iteration_bounds = array<i64: 2, 16>, scalar_prefetch = 0 : i64, scratch_operands = 6 : i64, tpu.core_type = #tpu.core_type<sc_vector_subcore>, window_params = [{transform_indices = #map}, {transform_indices = #map1}, {transform_indices = #map1}, {transform_indices = #map}, {transform_indices = #map}, {transform_indices = #map}, {transform_indices = #map}]} {
    %eq3A = arith.constant 0 : i32
    %eq3A_0 = arith.cmpi eq, %arg0, %eq3A : i32
    %convert_element_type3A = arith.extui %eq3A_0 : i1 to i32
    %cond3A = arith.constant 0 : i32
    %cond3A_1 = arith.cmpi ne, %convert_element_type3A, %cond3A : i32
    scf.if %cond3A_1 {
      %mul3A = arith.constant 640 : i32
      %mul3A_7 = arith.muli %arg1, %mul3A : i32
      %add3A = arith.constant 0 : i32
      %add3A_8 = arith.addi %mul3A_7, %add3A : i32
      "tpu.region"() ({
        %run_scoped3A = tpu.sem_alloc : memref<!tpu.dma_semaphore, #tpu.memory_space<semaphore_mem>>
        %dma_start3A_53 = tpu.memref_slice %arg3[%add3A_8] : memref<10240xi32, #tpu.memory_space<hbm>> -> memref<128xi32, #tpu.memory_space<hbm>>
        %dma_start3A_54 = tpu.memref_slice %arg3[%add3A_8] : memref<10240xi32, #tpu.memory_space<hbm>> -> memref<128xi32, #tpu.memory_space<hbm>>
        tpu.enqueue_dma source(%dma_start3A_54 : memref<128xi32, #tpu.memory_space<hbm>>) target(%arg10 : memref<128xi32, #tpu.memory_space<vmem>>) target_semaphore(%run_scoped3A : memref<!tpu.dma_semaphore, #tpu.memory_space<semaphore_mem>>)
        %dma_wait3A_55 = tpu.memref_slice %arg3[%add3A_8] : memref<10240xi32, #tpu.memory_space<hbm>> -> memref<128xi32, #tpu.memory_space<hbm>>
        %dma_wait3A_56 = tpu.memref_slice %arg3[%add3A_8] : memref<10240xi32, #tpu.memory_space<hbm>> -> memref<128xi32, #tpu.memory_space<hbm>>
        tpu.wait_dma2 semaphore(%run_scoped3A : memref<!tpu.dma_semaphore, #tpu.memory_space<semaphore_mem>>) src(%dma_wait3A_56 : memref<128xi32, #tpu.memory_space<hbm>>) dst(%arg10 : memref<128xi32, #tpu.memory_space<vmem>>)
        tpu.yield
      }) : () -> ()
      %dma_start3A = arith.constant 0 : i32
      %dma_start3A_9 = arith.constant 0 : i32
      %dma_start3A_10 = tpu.memref_slice %arg2[%dma_start3A, %dma_start3A_9] : memref<10000x128xf32, #tpu.memory_space<hbm>> -> memref<10000x128xf32, #tpu.memory_space<hbm>>
      tpu.enqueue_indirect_dma source(%dma_start3A_10 : memref<10000x128xf32, #tpu.memory_space<hbm>>) target(%arg11 : memref<128x128xf32, #tpu.memory_space<vmem>>) offsets(%arg10 : memref<128xi32, #tpu.memory_space<vmem>>) semaphore(%arg14 : memref<!tpu.dma_semaphore, #tpu.memory_space<semaphore_mem>>)
      %dma_wait3A = arith.constant 0 : i32
      %dma_wait3A_11 = arith.constant 0 : i32
      %dma_wait3A_12 = tpu.memref_slice %arg2[%dma_wait3A, %dma_wait3A_11] : memref<10000x128xf32, #tpu.memory_space<hbm>> -> memref<10000x128xf32, #tpu.memory_space<hbm>>
      tpu.wait_indirect_dma semaphore(%arg14 : memref<!tpu.dma_semaphore, #tpu.memory_space<semaphore_mem>>) src(%dma_wait3A_12 : memref<10000x128xf32, #tpu.memory_space<hbm>>) dst(%arg11 : memref<128x128xf32, #tpu.memory_space<vmem>>)
      "tpu.region"() ({
        %run_scoped3A = tpu.sem_alloc : memref<!tpu.dma_semaphore, #tpu.memory_space<semaphore_mem>>
        %dma_start3A_53 = arith.constant 0 : i32
        %dma_start3A_54 = tpu.memref_slice %arg7[%add3A_8, %dma_start3A_53] : memref<10240x128xf32, #tpu.memory_space<hbm>> -> memref<128x128xf32, #tpu.memory_space<hbm>>
        %dma_start3A_55 = arith.constant 0 : i32
        %dma_start3A_56 = tpu.memref_slice %arg7[%add3A_8, %dma_start3A_55] : memref<10240x128xf32, #tpu.memory_space<hbm>> -> memref<128x128xf32, #tpu.memory_space<hbm>>
        tpu.enqueue_dma source(%arg11 : memref<128x128xf32, #tpu.memory_space<vmem>>) target(%dma_start3A_56 : memref<128x128xf32, #tpu.memory_space<hbm>>) target_semaphore(%run_scoped3A : memref<!tpu.dma_semaphore, #tpu.memory_space<semaphore_mem>>)
        %dma_wait3A_57 = arith.constant 0 : i32
        %dma_wait3A_58 = tpu.memref_slice %arg7[%add3A_8, %dma_wait3A_57] : memref<10240x128xf32, #tpu.memory_space<hbm>> -> memref<128x128xf32, #tpu.memory_space<hbm>>
        %dma_wait3A_59 = arith.constant 0 : i32
        %dma_wait3A_60 = tpu.memref_slice %arg7[%add3A_8, %dma_wait3A_59] : memref<10240x128xf32, #tpu.memory_space<hbm>> -> memref<128x128xf32, #tpu.memory_space<hbm>>
        tpu.wait_dma2 semaphore(%run_scoped3A : memref<!tpu.dma_semaphore, #tpu.memory_space<semaphore_mem>>) src(%arg11 : memref<128x128xf32, #tpu.memory_space<vmem>>) dst(%dma_wait3A_60 : memref<128x128xf32, #tpu.memory_space<hbm>>)
        tpu.yield
      }) : () -> ()
      %mul3A_13 = arith.constant 640 : i32
      %mul3A_14 = arith.muli %arg1, %mul3A_13 : i32
      %add3A_15 = arith.constant 128 : i32
      %add3A_16 = arith.addi %mul3A_14, %add3A_15 : i32
      "tpu.region"() ({
        %run_scoped3A = tpu.sem_alloc : memref<!tpu.dma_semaphore, #tpu.memory_space<semaphore_mem>>
        %dma_start3A_53 = tpu.memref_slice %arg3[%add3A_16] : memref<10240xi32, #tpu.memory_space<hbm>> -> memref<128xi32, #tpu.memory_space<hbm>>
        %dma_start3A_54 = tpu.memref_slice %arg3[%add3A_16] : memref<10240xi32, #tpu.memory_space<hbm>> -> memref<128xi32, #tpu.memory_space<hbm>>
        tpu.enqueue_dma source(%dma_start3A_54 : memref<128xi32, #tpu.memory_space<hbm>>) target(%arg10 : memref<128xi32, #tpu.memory_space<vmem>>) target_semaphore(%run_scoped3A : memref<!tpu.dma_semaphore, #tpu.memory_space<semaphore_mem>>)
        %dma_wait3A_55 = tpu.memref_slice %arg3[%add3A_16] : memref<10240xi32, #tpu.memory_space<hbm>> -> memref<128xi32, #tpu.memory_space<hbm>>
        %dma_wait3A_56 = tpu.memref_slice %arg3[%add3A_16] : memref<10240xi32, #tpu.memory_space<hbm>> -> memref<128xi32, #tpu.memory_space<hbm>>
        tpu.wait_dma2 semaphore(%run_scoped3A : memref<!tpu.dma_semaphore, #tpu.memory_space<semaphore_mem>>) src(%dma_wait3A_56 : memref<128xi32, #tpu.memory_space<hbm>>) dst(%arg10 : memref<128xi32, #tpu.memory_space<vmem>>)
        tpu.yield
      }) : () -> ()
      %dma_start3A_17 = arith.constant 0 : i32
      %dma_start3A_18 = arith.constant 0 : i32
      %dma_start3A_19 = tpu.memref_slice %arg2[%dma_start3A_17, %dma_start3A_18] : memref<10000x128xf32, #tpu.memory_space<hbm>> -> memref<10000x128xf32, #tpu.memory_space<hbm>>
      tpu.enqueue_indirect_dma source(%dma_start3A_19 : memref<10000x128xf32, #tpu.memory_space<hbm>>) target(%arg11 : memref<128x128xf32, #tpu.memory_space<vmem>>) offsets(%arg10 : memref<128xi32, #tpu.memory_space<vmem>>) semaphore(%arg14 : memref<!tpu.dma_semaphore, #tpu.memory_space<semaphore_mem>>)
      %dma_wait3A_20 = arith.constant 0 : i32
      %dma_wait3A_21 = arith.constant 0 : i32
      %dma_wait3A_22 = tpu.memref_slice %arg2[%dma_wait3A_20, %dma_wait3A_21] : memref<10000x128xf32, #tpu.memory_space<hbm>> -> memref<10000x128xf32, #tpu.memory_space<hbm>>
      tpu.wait_indirect_dma semaphore(%arg14 : memref<!tpu.dma_semaphore, #tpu.memory_space<semaphore_mem>>) src(%dma_wait3A_22 : memref<10000x128xf32, #tpu.memory_space<hbm>>) dst(%arg11 : memref<128x128xf32, #tpu.memory_space<vmem>>)
      "tpu.region"() ({
        %run_scoped3A = tpu.sem_alloc : memref<!tpu.dma_semaphore, #tpu.memory_space<semaphore_mem>>
        %dma_start3A_53 = arith.constant 0 : i32
        %dma_start3A_54 = tpu.memref_slice %arg7[%add3A_16, %dma_start3A_53] : memref<10240x128xf32, #tpu.memory_space<hbm>> -> memref<128x128xf32, #tpu.memory_space<hbm>>
        %dma_start3A_55 = arith.constant 0 : i32
        %dma_start3A_56 = tpu.memref_slice %arg7[%add3A_16, %dma_start3A_55] : memref<10240x128xf32, #tpu.memory_space<hbm>> -> memref<128x128xf32, #tpu.memory_space<hbm>>
        tpu.enqueue_dma source(%arg11 : memref<128x128xf32, #tpu.memory_space<vmem>>) target(%dma_start3A_56 : memref<128x128xf32, #tpu.memory_space<hbm>>) target_semaphore(%run_scoped3A : memref<!tpu.dma_semaphore, #tpu.memory_space<semaphore_mem>>)
        %dma_wait3A_57 = arith.constant 0 : i32
        %dma_wait3A_58 = tpu.memref_slice %arg7[%add3A_16, %dma_wait3A_57] : memref<10240x128xf32, #tpu.memory_space<hbm>> -> memref<128x128xf32, #tpu.memory_space<hbm>>
        %dma_wait3A_59 = arith.constant 0 : i32
        %dma_wait3A_60 = tpu.memref_slice %arg7[%add3A_16, %dma_wait3A_59] : memref<10240x128xf32, #tpu.memory_space<hbm>> -> memref<128x128xf32, #tpu.memory_space<hbm>>
        tpu.wait_dma2 semaphore(%run_scoped3A : memref<!tpu.dma_semaphore, #tpu.memory_space<semaphore_mem>>) src(%arg11 : memref<128x128xf32, #tpu.memory_space<vmem>>) dst(%dma_wait3A_60 : memref<128x128xf32, #tpu.memory_space<hbm>>)
        tpu.yield
      }) : () -> ()
      %mul3A_23 = arith.constant 640 : i32
      %mul3A_24 = arith.muli %arg1, %mul3A_23 : i32
      %add3A_25 = arith.constant 256 : i32
      %add3A_26 = arith.addi %mul3A_24, %add3A_25 : i32
      "tpu.region"() ({
        %run_scoped3A = tpu.sem_alloc : memref<!tpu.dma_semaphore, #tpu.memory_space<semaphore_mem>>
        %dma_start3A_53 = tpu.memref_slice %arg3[%add3A_26] : memref<10240xi32, #tpu.memory_space<hbm>> -> memref<128xi32, #tpu.memory_space<hbm>>
        %dma_start3A_54 = tpu.memref_slice %arg3[%add3A_26] : memref<10240xi32, #tpu.memory_space<hbm>> -> memref<128xi32, #tpu.memory_space<hbm>>
        tpu.enqueue_dma source(%dma_start3A_54 : memref<128xi32, #tpu.memory_space<hbm>>) target(%arg10 : memref<128xi32, #tpu.memory_space<vmem>>) target_semaphore(%run_scoped3A : memref<!tpu.dma_semaphore, #tpu.memory_space<semaphore_mem>>)
        %dma_wait3A_55 = tpu.memref_slice %arg3[%add3A_26] : memref<10240xi32, #tpu.memory_space<hbm>> -> memref<128xi32, #tpu.memory_space<hbm>>
        %dma_wait3A_56 = tpu.memref_slice %arg3[%add3A_26] : memref<10240xi32, #tpu.memory_space<hbm>> -> memref<128xi32, #tpu.memory_space<hbm>>
        tpu.wait_dma2 semaphore(%run_scoped3A : memref<!tpu.dma_semaphore, #tpu.memory_space<semaphore_mem>>) src(%dma_wait3A_56 : memref<128xi32, #tpu.memory_space<hbm>>) dst(%arg10 : memref<128xi32, #tpu.memory_space<vmem>>)
        tpu.yield
      }) : () -> ()
      %dma_start3A_27 = arith.constant 0 : i32
      %dma_start3A_28 = arith.constant 0 : i32
      %dma_start3A_29 = tpu.memref_slice %arg2[%dma_start3A_27, %dma_start3A_28] : memref<10000x128xf32, #tpu.memory_space<hbm>> -> memref<10000x128xf32, #tpu.memory_space<hbm>>
      tpu.enqueue_indirect_dma source(%dma_start3A_29 : memref<10000x128xf32, #tpu.memory_space<hbm>>) target(%arg11 : memref<128x128xf32, #tpu.memory_space<vmem>>) offsets(%arg10 : memref<128xi32, #tpu.memory_space<vmem>>) semaphore(%arg14 : memref<!tpu.dma_semaphore, #tpu.memory_space<semaphore_mem>>)
      %dma_wait3A_30 = arith.constant 0 : i32
      %dma_wait3A_31 = arith.constant 0 : i32
      %dma_wait3A_32 = tpu.memref_slice %arg2[%dma_wait3A_30, %dma_wait3A_31] : memref<10000x128xf32, #tpu.memory_space<hbm>> -> memref<10000x128xf32, #tpu.memory_space<hbm>>
      tpu.wait_indirect_dma semaphore(%arg14 : memref<!tpu.dma_semaphore, #tpu.memory_space<semaphore_mem>>) src(%dma_wait3A_32 : memref<10000x128xf32, #tpu.memory_space<hbm>>) dst(%arg11 : memref<128x128xf32, #tpu.memory_space<vmem>>)
      "tpu.region"() ({
        %run_scoped3A = tpu.sem_alloc : memref<!tpu.dma_semaphore, #tpu.memory_space<semaphore_mem>>
        %dma_start3A_53 = arith.constant 0 : i32
        %dma_start3A_54 = tpu.memref_slice %arg7[%add3A_26, %dma_start3A_53] : memref<10240x128xf32, #tpu.memory_space<hbm>> -> memref<128x128xf32, #tpu.memory_space<hbm>>
        %dma_start3A_55 = arith.constant 0 : i32
        %dma_start3A_56 = tpu.memref_slice %arg7[%add3A_26, %dma_start3A_55] : memref<10240x128xf32, #tpu.memory_space<hbm>> -> memref<128x128xf32, #tpu.memory_space<hbm>>
        tpu.enqueue_dma source(%arg11 : memref<128x128xf32, #tpu.memory_space<vmem>>) target(%dma_start3A_56 : memref<128x128xf32, #tpu.memory_space<hbm>>) target_semaphore(%run_scoped3A : memref<!tpu.dma_semaphore, #tpu.memory_space<semaphore_mem>>)
        %dma_wait3A_57 = arith.constant 0 : i32
        %dma_wait3A_58 = tpu.memref_slice %arg7[%add3A_26, %dma_wait3A_57] : memref<10240x128xf32, #tpu.memory_space<hbm>> -> memref<128x128xf32, #tpu.memory_space<hbm>>
        %dma_wait3A_59 = arith.constant 0 : i32
        %dma_wait3A_60 = tpu.memref_slice %arg7[%add3A_26, %dma_wait3A_59] : memref<10240x128xf32, #tpu.memory_space<hbm>> -> memref<128x128xf32, #tpu.memory_space<hbm>>
        tpu.wait_dma2 semaphore(%run_scoped3A : memref<!tpu.dma_semaphore, #tpu.memory_space<semaphore_mem>>) src(%arg11 : memref<128x128xf32, #tpu.memory_space<vmem>>) dst(%dma_wait3A_60 : memref<128x128xf32, #tpu.memory_space<hbm>>)
        tpu.yield
      }) : () -> ()
      %mul3A_33 = arith.constant 640 : i32
      %mul3A_34 = arith.muli %arg1, %mul3A_33 : i32
      %add3A_35 = arith.constant 384 : i32
      %add3A_36 = arith.addi %mul3A_34, %add3A_35 : i32
      "tpu.region"() ({
        %run_scoped3A = tpu.sem_alloc : memref<!tpu.dma_semaphore, #tpu.memory_space<semaphore_mem>>
        %dma_start3A_53 = tpu.memref_slice %arg3[%add3A_36] : memref<10240xi32, #tpu.memory_space<hbm>> -> memref<128xi32, #tpu.memory_space<hbm>>
        %dma_start3A_54 = tpu.memref_slice %arg3[%add3A_36] : memref<10240xi32, #tpu.memory_space<hbm>> -> memref<128xi32, #tpu.memory_space<hbm>>
        tpu.enqueue_dma source(%dma_start3A_54 : memref<128xi32, #tpu.memory_space<hbm>>) target(%arg10 : memref<128xi32, #tpu.memory_space<vmem>>) target_semaphore(%run_scoped3A : memref<!tpu.dma_semaphore, #tpu.memory_space<semaphore_mem>>)
        %dma_wait3A_55 = tpu.memref_slice %arg3[%add3A_36] : memref<10240xi32, #tpu.memory_space<hbm>> -> memref<128xi32, #tpu.memory_space<hbm>>
        %dma_wait3A_56 = tpu.memref_slice %arg3[%add3A_36] : memref<10240xi32, #tpu.memory_space<hbm>> -> memref<128xi32, #tpu.memory_space<hbm>>
        tpu.wait_dma2 semaphore(%run_scoped3A : memref<!tpu.dma_semaphore, #tpu.memory_space<semaphore_mem>>) src(%dma_wait3A_56 : memref<128xi32, #tpu.memory_space<hbm>>) dst(%arg10 : memref<128xi32, #tpu.memory_space<vmem>>)
        tpu.yield
      }) : () -> ()
      %dma_start3A_37 = arith.constant 0 : i32
      %dma_start3A_38 = arith.constant 0 : i32
      %dma_start3A_39 = tpu.memref_slice %arg2[%dma_start3A_37, %dma_start3A_38] : memref<10000x128xf32, #tpu.memory_space<hbm>> -> memref<10000x128xf32, #tpu.memory_space<hbm>>
      tpu.enqueue_indirect_dma source(%dma_start3A_39 : memref<10000x128xf32, #tpu.memory_space<hbm>>) target(%arg11 : memref<128x128xf32, #tpu.memory_space<vmem>>) offsets(%arg10 : memref<128xi32, #tpu.memory_space<vmem>>) semaphore(%arg14 : memref<!tpu.dma_semaphore, #tpu.memory_space<semaphore_mem>>)
      %dma_wait3A_40 = arith.constant 0 : i32
      %dma_wait3A_41 = arith.constant 0 : i32
      %dma_wait3A_42 = tpu.memref_slice %arg2[%dma_wait3A_40, %dma_wait3A_41] : memref<10000x128xf32, #tpu.memory_space<hbm>> -> memref<10000x128xf32, #tpu.memory_space<hbm>>
      tpu.wait_indirect_dma semaphore(%arg14 : memref<!tpu.dma_semaphore, #tpu.memory_space<semaphore_mem>>) src(%dma_wait3A_42 : memref<10000x128xf32, #tpu.memory_space<hbm>>) dst(%arg11 : memref<128x128xf32, #tpu.memory_space<vmem>>)
      "tpu.region"() ({
        %run_scoped3A = tpu.sem_alloc : memref<!tpu.dma_semaphore, #tpu.memory_space<semaphore_mem>>
        %dma_start3A_53 = arith.constant 0 : i32
        %dma_start3A_54 = tpu.memref_slice %arg7[%add3A_36, %dma_start3A_53] : memref<10240x128xf32, #tpu.memory_space<hbm>> -> memref<128x128xf32, #tpu.memory_space<hbm>>
        %dma_start3A_55 = arith.constant 0 : i32
        %dma_start3A_56 = tpu.memref_slice %arg7[%add3A_36, %dma_start3A_55] : memref<10240x128xf32, #tpu.memory_space<hbm>> -> memref<128x128xf32, #tpu.memory_space<hbm>>
        tpu.enqueue_dma source(%arg11 : memref<128x128xf32, #tpu.memory_space<vmem>>) target(%dma_start3A_56 : memref<128x128xf32, #tpu.memory_space<hbm>>) target_semaphore(%run_scoped3A : memref<!tpu.dma_semaphore, #tpu.memory_space<semaphore_mem>>)
        %dma_wait3A_57 = arith.constant 0 : i32
        %dma_wait3A_58 = tpu.memref_slice %arg7[%add3A_36, %dma_wait3A_57] : memref<10240x128xf32, #tpu.memory_space<hbm>> -> memref<128x128xf32, #tpu.memory_space<hbm>>
        %dma_wait3A_59 = arith.constant 0 : i32
        %dma_wait3A_60 = tpu.memref_slice %arg7[%add3A_36, %dma_wait3A_59] : memref<10240x128xf32, #tpu.memory_space<hbm>> -> memref<128x128xf32, #tpu.memory_space<hbm>>
        tpu.wait_dma2 semaphore(%run_scoped3A : memref<!tpu.dma_semaphore, #tpu.memory_space<semaphore_mem>>) src(%arg11 : memref<128x128xf32, #tpu.memory_space<vmem>>) dst(%dma_wait3A_60 : memref<128x128xf32, #tpu.memory_space<hbm>>)
        tpu.yield
      }) : () -> ()
      %mul3A_43 = arith.constant 640 : i32
      %mul3A_44 = arith.muli %arg1, %mul3A_43 : i32
      %add3A_45 = arith.constant 512 : i32
      %add3A_46 = arith.addi %mul3A_44, %add3A_45 : i32
      "tpu.region"() ({
        %run_scoped3A = tpu.sem_alloc : memref<!tpu.dma_semaphore, #tpu.memory_space<semaphore_mem>>
        %dma_start3A_53 = tpu.memref_slice %arg3[%add3A_46] : memref<10240xi32, #tpu.memory_space<hbm>> -> memref<128xi32, #tpu.memory_space<hbm>>
        %dma_start3A_54 = tpu.memref_slice %arg3[%add3A_46] : memref<10240xi32, #tpu.memory_space<hbm>> -> memref<128xi32, #tpu.memory_space<hbm>>
        tpu.enqueue_dma source(%dma_start3A_54 : memref<128xi32, #tpu.memory_space<hbm>>) target(%arg10 : memref<128xi32, #tpu.memory_space<vmem>>) target_semaphore(%run_scoped3A : memref<!tpu.dma_semaphore, #tpu.memory_space<semaphore_mem>>)
        %dma_wait3A_55 = tpu.memref_slice %arg3[%add3A_46] : memref<10240xi32, #tpu.memory_space<hbm>> -> memref<128xi32, #tpu.memory_space<hbm>>
        %dma_wait3A_56 = tpu.memref_slice %arg3[%add3A_46] : memref<10240xi32, #tpu.memory_space<hbm>> -> memref<128xi32, #tpu.memory_space<hbm>>
        tpu.wait_dma2 semaphore(%run_scoped3A : memref<!tpu.dma_semaphore, #tpu.memory_space<semaphore_mem>>) src(%dma_wait3A_56 : memref<128xi32, #tpu.memory_space<hbm>>) dst(%arg10 : memref<128xi32, #tpu.memory_space<vmem>>)
        tpu.yield
      }) : () -> ()
      %dma_start3A_47 = arith.constant 0 : i32
      %dma_start3A_48 = arith.constant 0 : i32
      %dma_start3A_49 = tpu.memref_slice %arg2[%dma_start3A_47, %dma_start3A_48] : memref<10000x128xf32, #tpu.memory_space<hbm>> -> memref<10000x128xf32, #tpu.memory_space<hbm>>
      tpu.enqueue_indirect_dma source(%dma_start3A_49 : memref<10000x128xf32, #tpu.memory_space<hbm>>) target(%arg11 : memref<128x128xf32, #tpu.memory_space<vmem>>) offsets(%arg10 : memref<128xi32, #tpu.memory_space<vmem>>) semaphore(%arg14 : memref<!tpu.dma_semaphore, #tpu.memory_space<semaphore_mem>>)
      %dma_wait3A_50 = arith.constant 0 : i32
      %dma_wait3A_51 = arith.constant 0 : i32
      %dma_wait3A_52 = tpu.memref_slice %arg2[%dma_wait3A_50, %dma_wait3A_51] : memref<10000x128xf32, #tpu.memory_space<hbm>> -> memref<10000x128xf32, #tpu.memory_space<hbm>>
      tpu.wait_indirect_dma semaphore(%arg14 : memref<!tpu.dma_semaphore, #tpu.memory_space<semaphore_mem>>) src(%dma_wait3A_52 : memref<10000x128xf32, #tpu.memory_space<hbm>>) dst(%arg11 : memref<128x128xf32, #tpu.memory_space<vmem>>)
      "tpu.region"() ({
        %run_scoped3A = tpu.sem_alloc : memref<!tpu.dma_semaphore, #tpu.memory_space<semaphore_mem>>
        %dma_start3A_53 = arith.constant 0 : i32
        %dma_start3A_54 = tpu.memref_slice %arg7[%add3A_46, %dma_start3A_53] : memref<10240x128xf32, #tpu.memory_space<hbm>> -> memref<128x128xf32, #tpu.memory_space<hbm>>
        %dma_start3A_55 = arith.constant 0 : i32
        %dma_start3A_56 = tpu.memref_slice %arg7[%add3A_46, %dma_start3A_55] : memref<10240x128xf32, #tpu.memory_space<hbm>> -> memref<128x128xf32, #tpu.memory_space<hbm>>
        tpu.enqueue_dma source(%arg11 : memref<128x128xf32, #tpu.memory_space<vmem>>) target(%dma_start3A_56 : memref<128x128xf32, #tpu.memory_space<hbm>>) target_semaphore(%run_scoped3A : memref<!tpu.dma_semaphore, #tpu.memory_space<semaphore_mem>>)
        %dma_wait3A_57 = arith.constant 0 : i32
        %dma_wait3A_58 = tpu.memref_slice %arg7[%add3A_46, %dma_wait3A_57] : memref<10240x128xf32, #tpu.memory_space<hbm>> -> memref<128x128xf32, #tpu.memory_space<hbm>>
        %dma_wait3A_59 = arith.constant 0 : i32
        %dma_wait3A_60 = tpu.memref_slice %arg7[%add3A_46, %dma_wait3A_59] : memref<10240x128xf32, #tpu.memory_space<hbm>> -> memref<128x128xf32, #tpu.memory_space<hbm>>
        tpu.wait_dma2 semaphore(%run_scoped3A : memref<!tpu.dma_semaphore, #tpu.memory_space<semaphore_mem>>) src(%arg11 : memref<128x128xf32, #tpu.memory_space<vmem>>) dst(%dma_wait3A_60 : memref<128x128xf32, #tpu.memory_space<hbm>>)
        tpu.yield
      }) : () -> ()
    } else {
    }
    %eq3A_2 = arith.constant 1 : i32
    %eq3A_3 = arith.cmpi eq, %arg0, %eq3A_2 : i32
    %convert_element_type3A_4 = arith.extui %eq3A_3 : i1 to i32
    %cond3A_5 = arith.constant 0 : i32
    %cond3A_6 = arith.cmpi ne, %convert_element_type3A_4, %cond3A_5 : i32
    scf.if %cond3A_6 {
      "tpu.region"() ({
        %run_scoped3A = tpu.sem_alloc : memref<!tpu.dma_semaphore, #tpu.memory_space<semaphore_mem>>
        tpu.enqueue_dma source(%arg5 : memref<128x16xf32, #tpu.memory_space<hbm>>) target(%arg12 : memref<128x16xf32, #tpu.memory_space<vmem>>) target_semaphore(%run_scoped3A : memref<!tpu.dma_semaphore, #tpu.memory_space<semaphore_mem>>)
        tpu.wait_dma2 semaphore(%run_scoped3A : memref<!tpu.dma_semaphore, #tpu.memory_space<semaphore_mem>>) src(%arg5 : memref<128x16xf32, #tpu.memory_space<hbm>>) dst(%arg12 : memref<128x16xf32, #tpu.memory_space<vmem>>)
        tpu.yield
      }) : () -> ()
      "tpu.region"() ({
        %run_scoped3A = tpu.sem_alloc : memref<!tpu.dma_semaphore, #tpu.memory_space<semaphore_mem>>
        tpu.enqueue_dma source(%arg6 : memref<128x16xf32, #tpu.memory_space<hbm>>) target(%arg13 : memref<128x16xf32, #tpu.memory_space<vmem>>) target_semaphore(%run_scoped3A : memref<!tpu.dma_semaphore, #tpu.memory_space<semaphore_mem>>)
        tpu.wait_dma2 semaphore(%run_scoped3A : memref<!tpu.dma_semaphore, #tpu.memory_space<semaphore_mem>>) src(%arg6 : memref<128x16xf32, #tpu.memory_space<hbm>>) dst(%arg13 : memref<128x16xf32, #tpu.memory_space<vmem>>)
        tpu.yield
      }) : () -> ()
      %mul3A = arith.constant 640 : i32
      %mul3A_7 = arith.muli %arg1, %mul3A : i32
      %add3A = arith.constant 0 : i32
      %add3A_8 = arith.addi %mul3A_7, %add3A : i32
      "tpu.region"() ({
        %run_scoped3A = tpu.sem_alloc : memref<!tpu.dma_semaphore, #tpu.memory_space<semaphore_mem>>
        %dma_start3A = arith.constant 0 : i32
        %dma_start3A_35 = tpu.memref_slice %arg9[%add3A_8, %dma_start3A] : memref<10240x16xf32, #tpu.memory_space<vmem_shared>> -> memref<128x16xf32, #tpu.memory_space<vmem_shared>>
        %dma_start3A_36 = arith.constant 0 : i32
        %dma_start3A_37 = tpu.memref_slice %arg9[%add3A_8, %dma_start3A_36] : memref<10240x16xf32, #tpu.memory_space<vmem_shared>> -> memref<128x16xf32, #tpu.memory_space<vmem_shared>>
        tpu.enqueue_dma source(%arg13 : memref<128x16xf32, #tpu.memory_space<vmem>>) target(%dma_start3A_37 : memref<128x16xf32, #tpu.memory_space<vmem_shared>>) target_semaphore(%run_scoped3A : memref<!tpu.dma_semaphore, #tpu.memory_space<semaphore_mem>>)
        %dma_wait3A = arith.constant 0 : i32
        %dma_wait3A_38 = tpu.memref_slice %arg9[%add3A_8, %dma_wait3A] : memref<10240x16xf32, #tpu.memory_space<vmem_shared>> -> memref<128x16xf32, #tpu.memory_space<vmem_shared>>
        %dma_wait3A_39 = arith.constant 0 : i32
        %dma_wait3A_40 = tpu.memref_slice %arg9[%add3A_8, %dma_wait3A_39] : memref<10240x16xf32, #tpu.memory_space<vmem_shared>> -> memref<128x16xf32, #tpu.memory_space<vmem_shared>>
        tpu.wait_dma2 semaphore(%run_scoped3A : memref<!tpu.dma_semaphore, #tpu.memory_space<semaphore_mem>>) src(%arg13 : memref<128x16xf32, #tpu.memory_space<vmem>>) dst(%dma_wait3A_40 : memref<128x16xf32, #tpu.memory_space<vmem_shared>>)
        tpu.yield
      }) : () -> ()
      %mul3A_9 = arith.constant 640 : i32
      %mul3A_10 = arith.muli %arg1, %mul3A_9 : i32
      %add3A_11 = arith.constant 128 : i32
      %add3A_12 = arith.addi %mul3A_10, %add3A_11 : i32
      "tpu.region"() ({
        %run_scoped3A = tpu.sem_alloc : memref<!tpu.dma_semaphore, #tpu.memory_space<semaphore_mem>>
        %dma_start3A = arith.constant 0 : i32
        %dma_start3A_35 = tpu.memref_slice %arg9[%add3A_12, %dma_start3A] : memref<10240x16xf32, #tpu.memory_space<vmem_shared>> -> memref<128x16xf32, #tpu.memory_space<vmem_shared>>
        %dma_start3A_36 = arith.constant 0 : i32
        %dma_start3A_37 = tpu.memref_slice %arg9[%add3A_12, %dma_start3A_36] : memref<10240x16xf32, #tpu.memory_space<vmem_shared>> -> memref<128x16xf32, #tpu.memory_space<vmem_shared>>
        tpu.enqueue_dma source(%arg13 : memref<128x16xf32, #tpu.memory_space<vmem>>) target(%dma_start3A_37 : memref<128x16xf32, #tpu.memory_space<vmem_shared>>) target_semaphore(%run_scoped3A : memref<!tpu.dma_semaphore, #tpu.memory_space<semaphore_mem>>)
        %dma_wait3A = arith.constant 0 : i32
        %dma_wait3A_38 = tpu.memref_slice %arg9[%add3A_12, %dma_wait3A] : memref<10240x16xf32, #tpu.memory_space<vmem_shared>> -> memref<128x16xf32, #tpu.memory_space<vmem_shared>>
        %dma_wait3A_39 = arith.constant 0 : i32
        %dma_wait3A_40 = tpu.memref_slice %arg9[%add3A_12, %dma_wait3A_39] : memref<10240x16xf32, #tpu.memory_space<vmem_shared>> -> memref<128x16xf32, #tpu.memory_space<vmem_shared>>
        tpu.wait_dma2 semaphore(%run_scoped3A : memref<!tpu.dma_semaphore, #tpu.memory_space<semaphore_mem>>) src(%arg13 : memref<128x16xf32, #tpu.memory_space<vmem>>) dst(%dma_wait3A_40 : memref<128x16xf32, #tpu.memory_space<vmem_shared>>)
        tpu.yield
      }) : () -> ()
      %mul3A_13 = arith.constant 640 : i32
      %mul3A_14 = arith.muli %arg1, %mul3A_13 : i32
      %add3A_15 = arith.constant 256 : i32
      %add3A_16 = arith.addi %mul3A_14, %add3A_15 : i32
      "tpu.region"() ({
        %run_scoped3A = tpu.sem_alloc : memref<!tpu.dma_semaphore, #tpu.memory_space<semaphore_mem>>
        %dma_start3A = arith.constant 0 : i32
        %dma_start3A_35 = tpu.memref_slice %arg9[%add3A_16, %dma_start3A] : memref<10240x16xf32, #tpu.memory_space<vmem_shared>> -> memref<128x16xf32, #tpu.memory_space<vmem_shared>>
        %dma_start3A_36 = arith.constant 0 : i32
        %dma_start3A_37 = tpu.memref_slice %arg9[%add3A_16, %dma_start3A_36] : memref<10240x16xf32, #tpu.memory_space<vmem_shared>> -> memref<128x16xf32, #tpu.memory_space<vmem_shared>>
        tpu.enqueue_dma source(%arg13 : memref<128x16xf32, #tpu.memory_space<vmem>>) target(%dma_start3A_37 : memref<128x16xf32, #tpu.memory_space<vmem_shared>>) target_semaphore(%run_scoped3A : memref<!tpu.dma_semaphore, #tpu.memory_space<semaphore_mem>>)
        %dma_wait3A = arith.constant 0 : i32
        %dma_wait3A_38 = tpu.memref_slice %arg9[%add3A_16, %dma_wait3A] : memref<10240x16xf32, #tpu.memory_space<vmem_shared>> -> memref<128x16xf32, #tpu.memory_space<vmem_shared>>
        %dma_wait3A_39 = arith.constant 0 : i32
        %dma_wait3A_40 = tpu.memref_slice %arg9[%add3A_16, %dma_wait3A_39] : memref<10240x16xf32, #tpu.memory_space<vmem_shared>> -> memref<128x16xf32, #tpu.memory_space<vmem_shared>>
        tpu.wait_dma2 semaphore(%run_scoped3A : memref<!tpu.dma_semaphore, #tpu.memory_space<semaphore_mem>>) src(%arg13 : memref<128x16xf32, #tpu.memory_space<vmem>>) dst(%dma_wait3A_40 : memref<128x16xf32, #tpu.memory_space<vmem_shared>>)
        tpu.yield
      }) : () -> ()
      %mul3A_17 = arith.constant 640 : i32
      %mul3A_18 = arith.muli %arg1, %mul3A_17 : i32
      %add3A_19 = arith.constant 384 : i32
      %add3A_20 = arith.addi %mul3A_18, %add3A_19 : i32
      "tpu.region"() ({
        %run_scoped3A = tpu.sem_alloc : memref<!tpu.dma_semaphore, #tpu.memory_space<semaphore_mem>>
        %dma_start3A = arith.constant 0 : i32
        %dma_start3A_35 = tpu.memref_slice %arg9[%add3A_20, %dma_start3A] : memref<10240x16xf32, #tpu.memory_space<vmem_shared>> -> memref<128x16xf32, #tpu.memory_space<vmem_shared>>
        %dma_start3A_36 = arith.constant 0 : i32
        %dma_start3A_37 = tpu.memref_slice %arg9[%add3A_20, %dma_start3A_36] : memref<10240x16xf32, #tpu.memory_space<vmem_shared>> -> memref<128x16xf32, #tpu.memory_space<vmem_shared>>
        tpu.enqueue_dma source(%arg13 : memref<128x16xf32, #tpu.memory_space<vmem>>) target(%dma_start3A_37 : memref<128x16xf32, #tpu.memory_space<vmem_shared>>) target_semaphore(%run_scoped3A : memref<!tpu.dma_semaphore, #tpu.memory_space<semaphore_mem>>)
        %dma_wait3A = arith.constant 0 : i32
        %dma_wait3A_38 = tpu.memref_slice %arg9[%add3A_20, %dma_wait3A] : memref<10240x16xf32, #tpu.memory_space<vmem_shared>> -> memref<128x16xf32, #tpu.memory_space<vmem_shared>>
        %dma_wait3A_39 = arith.constant 0 : i32
        %dma_wait3A_40 = tpu.memref_slice %arg9[%add3A_20, %dma_wait3A_39] : memref<10240x16xf32, #tpu.memory_space<vmem_shared>> -> memref<128x16xf32, #tpu.memory_space<vmem_shared>>
        tpu.wait_dma2 semaphore(%run_scoped3A : memref<!tpu.dma_semaphore, #tpu.memory_space<semaphore_mem>>) src(%arg13 : memref<128x16xf32, #tpu.memory_space<vmem>>) dst(%dma_wait3A_40 : memref<128x16xf32, #tpu.memory_space<vmem_shared>>)
        tpu.yield
      }) : () -> ()
      %mul3A_21 = arith.constant 640 : i32
      %mul3A_22 = arith.muli %arg1, %mul3A_21 : i32
      %add3A_23 = arith.constant 512 : i32
      %add3A_24 = arith.addi %mul3A_22, %add3A_23 : i32
      "tpu.region"() ({
        %run_scoped3A = tpu.sem_alloc : memref<!tpu.dma_semaphore, #tpu.memory_space<semaphore_mem>>
        %dma_start3A = arith.constant 0 : i32
        %dma_start3A_35 = tpu.memref_slice %arg9[%add3A_24, %dma_start3A] : memref<10240x16xf32, #tpu.memory_space<vmem_shared>> -> memref<128x16xf32, #tpu.memory_space<vmem_shared>>
        %dma_start3A_36 = arith.constant 0 : i32
        %dma_start3A_37 = tpu.memref_slice %arg9[%add3A_24, %dma_start3A_36] : memref<10240x16xf32, #tpu.memory_space<vmem_shared>> -> memref<128x16xf32, #tpu.memory_space<vmem_shared>>
        tpu.enqueue_dma source(%arg13 : memref<128x16xf32, #tpu.memory_space<vmem>>) target(%dma_start3A_37 : memref<128x16xf32, #tpu.memory_space<vmem_shared>>) target_semaphore(%run_scoped3A : memref<!tpu.dma_semaphore, #tpu.memory_space<semaphore_mem>>)
        %dma_wait3A = arith.constant 0 : i32
        %dma_wait3A_38 = tpu.memref_slice %arg9[%add3A_24, %dma_wait3A] : memref<10240x16xf32, #tpu.memory_space<vmem_shared>> -> memref<128x16xf32, #tpu.memory_space<vmem_shared>>
        %dma_wait3A_39 = arith.constant 0 : i32
        %dma_wait3A_40 = tpu.memref_slice %arg9[%add3A_24, %dma_wait3A_39] : memref<10240x16xf32, #tpu.memory_space<vmem_shared>> -> memref<128x16xf32, #tpu.memory_space<vmem_shared>>
        tpu.wait_dma2 semaphore(%run_scoped3A : memref<!tpu.dma_semaphore, #tpu.memory_space<semaphore_mem>>) src(%arg13 : memref<128x16xf32, #tpu.memory_space<vmem>>) dst(%dma_wait3A_40 : memref<128x16xf32, #tpu.memory_space<vmem_shared>>)
        tpu.yield
      }) : () -> ()
      %barrier3A = arith.constant 0 : index
      tpu.barrier barrier_id(%barrier3A)
      %scan3A = arith.constant 0 : i32
      %scan3A_25 = arith.constant 0 : i32
      %scan3A_26 = arith.constant 162 : i32
      %scan3A_27 = arith.addi %scan3A_25, %scan3A_26 : i32
      %scan3A_28 = arith.constant 1 : i32
      scf.for %scan3A_35 = %scan3A_25 to %scan3A_27 step %scan3A_28  : i32 {
        %mul3A_36 = arith.constant 20736 : i32
        %mul3A_37 = arith.muli %arg1, %mul3A_36 : i32
        %mul3A_38 = arith.constant 128 : i32
        %mul3A_39 = arith.muli %scan3A_35, %mul3A_38 : i32
        %add3A_40 = arith.addi %mul3A_37, %mul3A_39 : i32
        "tpu.region"() ({
          %run_scoped3A = tpu.sem_alloc : memref<!tpu.dma_semaphore, #tpu.memory_space<semaphore_mem>>
          %dma_start3A = tpu.memref_slice %arg4[%add3A_40] : memref<331776xi32, #tpu.memory_space<hbm>> -> memref<128xi32, #tpu.memory_space<hbm>>
          %dma_start3A_41 = tpu.memref_slice %arg4[%add3A_40] : memref<331776xi32, #tpu.memory_space<hbm>> -> memref<128xi32, #tpu.memory_space<hbm>>
          tpu.enqueue_dma source(%dma_start3A_41 : memref<128xi32, #tpu.memory_space<hbm>>) target(%arg10 : memref<128xi32, #tpu.memory_space<vmem>>) target_semaphore(%run_scoped3A : memref<!tpu.dma_semaphore, #tpu.memory_space<semaphore_mem>>)
          %dma_wait3A = tpu.memref_slice %arg4[%add3A_40] : memref<331776xi32, #tpu.memory_space<hbm>> -> memref<128xi32, #tpu.memory_space<hbm>>
          %dma_wait3A_42 = tpu.memref_slice %arg4[%add3A_40] : memref<331776xi32, #tpu.memory_space<hbm>> -> memref<128xi32, #tpu.memory_space<hbm>>
          tpu.wait_dma2 semaphore(%run_scoped3A : memref<!tpu.dma_semaphore, #tpu.memory_space<semaphore_mem>>) src(%dma_wait3A_42 : memref<128xi32, #tpu.memory_space<hbm>>) dst(%arg10 : memref<128xi32, #tpu.memory_space<vmem>>)
          tpu.yield
        }) : () -> ()
        "tpu.region"() ({
          %run_scoped3A = tpu.sem_alloc : memref<!tpu.dma_semaphore, #tpu.memory_space<semaphore_mem>>
          %dma_start3A = arith.constant 0 : i32
          %dma_start3A_41 = arith.constant 0 : i32
          %dma_start3A_42 = tpu.memref_slice %arg9[%dma_start3A, %dma_start3A_41] : memref<10240x16xf32, #tpu.memory_space<vmem_shared>> -> memref<10240x16xf32, #tpu.memory_space<vmem_shared>>
          tpu.enqueue_indirect_dma source(%arg12 : memref<128x16xf32, #tpu.memory_space<vmem>>) target(%dma_start3A_42 : memref<10240x16xf32, #tpu.memory_space<vmem_shared>>) offsets(%arg10 : memref<128xi32, #tpu.memory_space<vmem>>) semaphore(%run_scoped3A : memref<!tpu.dma_semaphore, #tpu.memory_space<semaphore_mem>>) {add = true}
          %dma_wait3A = arith.constant 0 : i32
          %dma_wait3A_43 = arith.constant 0 : i32
          %dma_wait3A_44 = tpu.memref_slice %arg9[%dma_wait3A, %dma_wait3A_43] : memref<10240x16xf32, #tpu.memory_space<vmem_shared>> -> memref<10240x16xf32, #tpu.memory_space<vmem_shared>>
          tpu.wait_indirect_dma semaphore(%run_scoped3A : memref<!tpu.dma_semaphore, #tpu.memory_space<semaphore_mem>>) src(%arg12 : memref<128x16xf32, #tpu.memory_space<vmem>>) dst(%dma_wait3A_44 : memref<10240x16xf32, #tpu.memory_space<vmem_shared>>)
          tpu.yield
        }) : () -> ()
      }
      %scan3A_29 = arith.constant 162 : i32
      %barrier3A_30 = arith.constant 0 : index
      tpu.barrier barrier_id(%barrier3A_30)
      %mul3A_31 = arith.constant 640 : i32
      %mul3A_32 = arith.muli %arg1, %mul3A_31 : i32
      %mul3A_33 = arith.constant 640 : i32
      %mul3A_34 = arith.muli %arg1, %mul3A_33 : i32
      "tpu.region"() ({
        %run_scoped3A = tpu.sem_alloc : memref<!tpu.dma_semaphore, #tpu.memory_space<semaphore_mem>>
        %dma_start3A = arith.constant 0 : i32
        %dma_start3A_35 = tpu.memref_slice %arg8[%mul3A_34, %dma_start3A] : memref<10240x16xf32, #tpu.memory_space<hbm>> -> memref<640x16xf32, #tpu.memory_space<hbm>>
        %dma_start3A_36 = arith.constant 0 : i32
        %dma_start3A_37 = tpu.memref_slice %arg9[%mul3A_32, %dma_start3A_36] : memref<10240x16xf32, #tpu.memory_space<vmem_shared>> -> memref<640x16xf32, #tpu.memory_space<vmem_shared>>
        tpu.enqueue_dma source(%dma_start3A_37 : memref<640x16xf32, #tpu.memory_space<vmem_shared>>) target(%dma_start3A_35 : memref<640x16xf32, #tpu.memory_space<hbm>>) target_semaphore(%run_scoped3A : memref<!tpu.dma_semaphore, #tpu.memory_space<semaphore_mem>>)
        %dma_wait3A = arith.constant 0 : i32
        %dma_wait3A_38 = tpu.memref_slice %arg8[%mul3A_34, %dma_wait3A] : memref<10240x16xf32, #tpu.memory_space<hbm>> -> memref<640x16xf32, #tpu.memory_space<hbm>>
        %dma_wait3A_39 = arith.constant 0 : i32
        %dma_wait3A_40 = tpu.memref_slice %arg9[%mul3A_32, %dma_wait3A_39] : memref<10240x16xf32, #tpu.memory_space<vmem_shared>> -> memref<640x16xf32, #tpu.memory_space<vmem_shared>>
        tpu.wait_dma2 semaphore(%run_scoped3A : memref<!tpu.dma_semaphore, #tpu.memory_space<semaphore_mem>>) src(%dma_wait3A_40 : memref<640x16xf32, #tpu.memory_space<vmem_shared>>) dst(%dma_wait3A_38 : memref<640x16xf32, #tpu.memory_space<hbm>>)
        tpu.yield
      }) : () -> ()
    } else {
    }
    return
  }
}

#map = affine_map<(d0, d1) -> (0, 0)>
#map1 = affine_map<(d0, d1) -> (0)>
module attributes {stable_mosaic.version = 14 : i64} {
  func.func @_sc_propagate(%arg0: i32, %arg1: i32, %arg2: memref<10000x128xf32, #tpu.memory_space<hbm>>, %arg3: memref<10000x128xf32, #tpu.memory_space<hbm>>, %arg4: memref<331776xi32, #tpu.memory_space<hbm>>, %arg5: memref<331776xi32, #tpu.memory_space<hbm>>, %arg6: memref<128x128xf32, #tpu.memory_space<hbm>>, %arg7: memref<10240x128xf32, #tpu.memory_space<hbm>>, %arg8: memref<10240x128xf32, #tpu.memory_space<hbm>>, %arg9: memref<10240x128xf32, #tpu.memory_space<vmem_shared>>, %arg10: memref<128xi32, #tpu.memory_space<vmem>>, %arg11: memref<128xi32, #tpu.memory_space<vmem>>, %arg12: memref<128x128xf32, #tpu.memory_space<vmem>>, %arg13: memref<128x128xf32, #tpu.memory_space<vmem>>, %arg14: memref<!tpu.dma_semaphore, #tpu.memory_space<semaphore_mem>>) attributes {dimension_semantics = [#tpu.dimension_semantics<core_parallel>, #tpu.dimension_semantics<subcore_parallel>], iteration_bounds = array<i64: 2, 16>, scalar_prefetch = 0 : i64, scratch_operands = 6 : i64, tpu.core_type = #tpu.core_type<sc_vector_subcore>, window_params = [{transform_indices = #map}, {transform_indices = #map}, {transform_indices = #map1}, {transform_indices = #map1}, {transform_indices = #map}, {transform_indices = #map}, {transform_indices = #map}]} {
    %eq3A = arith.constant 0 : i32
    %eq3A_0 = arith.cmpi eq, %arg0, %eq3A : i32
    %convert_element_type3A = arith.extui %eq3A_0 : i1 to i32
    %cond3A = arith.constant 0 : i32
    %cond3A_1 = arith.cmpi ne, %convert_element_type3A, %cond3A : i32
    scf.if %cond3A_1 {
      "tpu.region"() ({
        %run_scoped3A = tpu.sem_alloc : memref<!tpu.dma_semaphore, #tpu.memory_space<semaphore_mem>>
        tpu.enqueue_dma source(%arg6 : memref<128x128xf32, #tpu.memory_space<hbm>>) target(%arg13 : memref<128x128xf32, #tpu.memory_space<vmem>>) target_semaphore(%run_scoped3A : memref<!tpu.dma_semaphore, #tpu.memory_space<semaphore_mem>>)
        tpu.wait_dma2 semaphore(%run_scoped3A : memref<!tpu.dma_semaphore, #tpu.memory_space<semaphore_mem>>) src(%arg6 : memref<128x128xf32, #tpu.memory_space<hbm>>) dst(%arg13 : memref<128x128xf32, #tpu.memory_space<vmem>>)
        tpu.yield
      }) : () -> ()
      %mul3A = arith.constant 640 : i32
      %mul3A_7 = arith.muli %arg1, %mul3A : i32
      %add3A = arith.constant 0 : i32
      %add3A_8 = arith.addi %mul3A_7, %add3A : i32
      "tpu.region"() ({
        %run_scoped3A = tpu.sem_alloc : memref<!tpu.dma_semaphore, #tpu.memory_space<semaphore_mem>>
        %dma_start3A = arith.constant 0 : i32
        %dma_start3A_35 = tpu.memref_slice %arg9[%add3A_8, %dma_start3A] : memref<10240x128xf32, #tpu.memory_space<vmem_shared>> -> memref<128x128xf32, #tpu.memory_space<vmem_shared>>
        %dma_start3A_36 = arith.constant 0 : i32
        %dma_start3A_37 = tpu.memref_slice %arg9[%add3A_8, %dma_start3A_36] : memref<10240x128xf32, #tpu.memory_space<vmem_shared>> -> memref<128x128xf32, #tpu.memory_space<vmem_shared>>
        tpu.enqueue_dma source(%arg13 : memref<128x128xf32, #tpu.memory_space<vmem>>) target(%dma_start3A_37 : memref<128x128xf32, #tpu.memory_space<vmem_shared>>) target_semaphore(%run_scoped3A : memref<!tpu.dma_semaphore, #tpu.memory_space<semaphore_mem>>)
        %dma_wait3A = arith.constant 0 : i32
        %dma_wait3A_38 = tpu.memref_slice %arg9[%add3A_8, %dma_wait3A] : memref<10240x128xf32, #tpu.memory_space<vmem_shared>> -> memref<128x128xf32, #tpu.memory_space<vmem_shared>>
        %dma_wait3A_39 = arith.constant 0 : i32
        %dma_wait3A_40 = tpu.memref_slice %arg9[%add3A_8, %dma_wait3A_39] : memref<10240x128xf32, #tpu.memory_space<vmem_shared>> -> memref<128x128xf32, #tpu.memory_space<vmem_shared>>
        tpu.wait_dma2 semaphore(%run_scoped3A : memref<!tpu.dma_semaphore, #tpu.memory_space<semaphore_mem>>) src(%arg13 : memref<128x128xf32, #tpu.memory_space<vmem>>) dst(%dma_wait3A_40 : memref<128x128xf32, #tpu.memory_space<vmem_shared>>)
        tpu.yield
      }) : () -> ()
      %mul3A_9 = arith.constant 640 : i32
      %mul3A_10 = arith.muli %arg1, %mul3A_9 : i32
      %add3A_11 = arith.constant 128 : i32
      %add3A_12 = arith.addi %mul3A_10, %add3A_11 : i32
      "tpu.region"() ({
        %run_scoped3A = tpu.sem_alloc : memref<!tpu.dma_semaphore, #tpu.memory_space<semaphore_mem>>
        %dma_start3A = arith.constant 0 : i32
        %dma_start3A_35 = tpu.memref_slice %arg9[%add3A_12, %dma_start3A] : memref<10240x128xf32, #tpu.memory_space<vmem_shared>> -> memref<128x128xf32, #tpu.memory_space<vmem_shared>>
        %dma_start3A_36 = arith.constant 0 : i32
        %dma_start3A_37 = tpu.memref_slice %arg9[%add3A_12, %dma_start3A_36] : memref<10240x128xf32, #tpu.memory_space<vmem_shared>> -> memref<128x128xf32, #tpu.memory_space<vmem_shared>>
        tpu.enqueue_dma source(%arg13 : memref<128x128xf32, #tpu.memory_space<vmem>>) target(%dma_start3A_37 : memref<128x128xf32, #tpu.memory_space<vmem_shared>>) target_semaphore(%run_scoped3A : memref<!tpu.dma_semaphore, #tpu.memory_space<semaphore_mem>>)
        %dma_wait3A = arith.constant 0 : i32
        %dma_wait3A_38 = tpu.memref_slice %arg9[%add3A_12, %dma_wait3A] : memref<10240x128xf32, #tpu.memory_space<vmem_shared>> -> memref<128x128xf32, #tpu.memory_space<vmem_shared>>
        %dma_wait3A_39 = arith.constant 0 : i32
        %dma_wait3A_40 = tpu.memref_slice %arg9[%add3A_12, %dma_wait3A_39] : memref<10240x128xf32, #tpu.memory_space<vmem_shared>> -> memref<128x128xf32, #tpu.memory_space<vmem_shared>>
        tpu.wait_dma2 semaphore(%run_scoped3A : memref<!tpu.dma_semaphore, #tpu.memory_space<semaphore_mem>>) src(%arg13 : memref<128x128xf32, #tpu.memory_space<vmem>>) dst(%dma_wait3A_40 : memref<128x128xf32, #tpu.memory_space<vmem_shared>>)
        tpu.yield
      }) : () -> ()
      %mul3A_13 = arith.constant 640 : i32
      %mul3A_14 = arith.muli %arg1, %mul3A_13 : i32
      %add3A_15 = arith.constant 256 : i32
      %add3A_16 = arith.addi %mul3A_14, %add3A_15 : i32
      "tpu.region"() ({
        %run_scoped3A = tpu.sem_alloc : memref<!tpu.dma_semaphore, #tpu.memory_space<semaphore_mem>>
        %dma_start3A = arith.constant 0 : i32
        %dma_start3A_35 = tpu.memref_slice %arg9[%add3A_16, %dma_start3A] : memref<10240x128xf32, #tpu.memory_space<vmem_shared>> -> memref<128x128xf32, #tpu.memory_space<vmem_shared>>
        %dma_start3A_36 = arith.constant 0 : i32
        %dma_start3A_37 = tpu.memref_slice %arg9[%add3A_16, %dma_start3A_36] : memref<10240x128xf32, #tpu.memory_space<vmem_shared>> -> memref<128x128xf32, #tpu.memory_space<vmem_shared>>
        tpu.enqueue_dma source(%arg13 : memref<128x128xf32, #tpu.memory_space<vmem>>) target(%dma_start3A_37 : memref<128x128xf32, #tpu.memory_space<vmem_shared>>) target_semaphore(%run_scoped3A : memref<!tpu.dma_semaphore, #tpu.memory_space<semaphore_mem>>)
        %dma_wait3A = arith.constant 0 : i32
        %dma_wait3A_38 = tpu.memref_slice %arg9[%add3A_16, %dma_wait3A] : memref<10240x128xf32, #tpu.memory_space<vmem_shared>> -> memref<128x128xf32, #tpu.memory_space<vmem_shared>>
        %dma_wait3A_39 = arith.constant 0 : i32
        %dma_wait3A_40 = tpu.memref_slice %arg9[%add3A_16, %dma_wait3A_39] : memref<10240x128xf32, #tpu.memory_space<vmem_shared>> -> memref<128x128xf32, #tpu.memory_space<vmem_shared>>
        tpu.wait_dma2 semaphore(%run_scoped3A : memref<!tpu.dma_semaphore, #tpu.memory_space<semaphore_mem>>) src(%arg13 : memref<128x128xf32, #tpu.memory_space<vmem>>) dst(%dma_wait3A_40 : memref<128x128xf32, #tpu.memory_space<vmem_shared>>)
        tpu.yield
      }) : () -> ()
      %mul3A_17 = arith.constant 640 : i32
      %mul3A_18 = arith.muli %arg1, %mul3A_17 : i32
      %add3A_19 = arith.constant 384 : i32
      %add3A_20 = arith.addi %mul3A_18, %add3A_19 : i32
      "tpu.region"() ({
        %run_scoped3A = tpu.sem_alloc : memref<!tpu.dma_semaphore, #tpu.memory_space<semaphore_mem>>
        %dma_start3A = arith.constant 0 : i32
        %dma_start3A_35 = tpu.memref_slice %arg9[%add3A_20, %dma_start3A] : memref<10240x128xf32, #tpu.memory_space<vmem_shared>> -> memref<128x128xf32, #tpu.memory_space<vmem_shared>>
        %dma_start3A_36 = arith.constant 0 : i32
        %dma_start3A_37 = tpu.memref_slice %arg9[%add3A_20, %dma_start3A_36] : memref<10240x128xf32, #tpu.memory_space<vmem_shared>> -> memref<128x128xf32, #tpu.memory_space<vmem_shared>>
        tpu.enqueue_dma source(%arg13 : memref<128x128xf32, #tpu.memory_space<vmem>>) target(%dma_start3A_37 : memref<128x128xf32, #tpu.memory_space<vmem_shared>>) target_semaphore(%run_scoped3A : memref<!tpu.dma_semaphore, #tpu.memory_space<semaphore_mem>>)
        %dma_wait3A = arith.constant 0 : i32
        %dma_wait3A_38 = tpu.memref_slice %arg9[%add3A_20, %dma_wait3A] : memref<10240x128xf32, #tpu.memory_space<vmem_shared>> -> memref<128x128xf32, #tpu.memory_space<vmem_shared>>
        %dma_wait3A_39 = arith.constant 0 : i32
        %dma_wait3A_40 = tpu.memref_slice %arg9[%add3A_20, %dma_wait3A_39] : memref<10240x128xf32, #tpu.memory_space<vmem_shared>> -> memref<128x128xf32, #tpu.memory_space<vmem_shared>>
        tpu.wait_dma2 semaphore(%run_scoped3A : memref<!tpu.dma_semaphore, #tpu.memory_space<semaphore_mem>>) src(%arg13 : memref<128x128xf32, #tpu.memory_space<vmem>>) dst(%dma_wait3A_40 : memref<128x128xf32, #tpu.memory_space<vmem_shared>>)
        tpu.yield
      }) : () -> ()
      %mul3A_21 = arith.constant 640 : i32
      %mul3A_22 = arith.muli %arg1, %mul3A_21 : i32
      %add3A_23 = arith.constant 512 : i32
      %add3A_24 = arith.addi %mul3A_22, %add3A_23 : i32
      "tpu.region"() ({
        %run_scoped3A = tpu.sem_alloc : memref<!tpu.dma_semaphore, #tpu.memory_space<semaphore_mem>>
        %dma_start3A = arith.constant 0 : i32
        %dma_start3A_35 = tpu.memref_slice %arg9[%add3A_24, %dma_start3A] : memref<10240x128xf32, #tpu.memory_space<vmem_shared>> -> memref<128x128xf32, #tpu.memory_space<vmem_shared>>
        %dma_start3A_36 = arith.constant 0 : i32
        %dma_start3A_37 = tpu.memref_slice %arg9[%add3A_24, %dma_start3A_36] : memref<10240x128xf32, #tpu.memory_space<vmem_shared>> -> memref<128x128xf32, #tpu.memory_space<vmem_shared>>
        tpu.enqueue_dma source(%arg13 : memref<128x128xf32, #tpu.memory_space<vmem>>) target(%dma_start3A_37 : memref<128x128xf32, #tpu.memory_space<vmem_shared>>) target_semaphore(%run_scoped3A : memref<!tpu.dma_semaphore, #tpu.memory_space<semaphore_mem>>)
        %dma_wait3A = arith.constant 0 : i32
        %dma_wait3A_38 = tpu.memref_slice %arg9[%add3A_24, %dma_wait3A] : memref<10240x128xf32, #tpu.memory_space<vmem_shared>> -> memref<128x128xf32, #tpu.memory_space<vmem_shared>>
        %dma_wait3A_39 = arith.constant 0 : i32
        %dma_wait3A_40 = tpu.memref_slice %arg9[%add3A_24, %dma_wait3A_39] : memref<10240x128xf32, #tpu.memory_space<vmem_shared>> -> memref<128x128xf32, #tpu.memory_space<vmem_shared>>
        tpu.wait_dma2 semaphore(%run_scoped3A : memref<!tpu.dma_semaphore, #tpu.memory_space<semaphore_mem>>) src(%arg13 : memref<128x128xf32, #tpu.memory_space<vmem>>) dst(%dma_wait3A_40 : memref<128x128xf32, #tpu.memory_space<vmem_shared>>)
        tpu.yield
      }) : () -> ()
      %barrier3A = arith.constant 0 : index
      tpu.barrier barrier_id(%barrier3A)
      %scan3A = arith.constant 0 : i32
      %scan3A_25 = arith.constant 0 : i32
      %scan3A_26 = arith.constant 162 : i32
      %scan3A_27 = arith.addi %scan3A_25, %scan3A_26 : i32
      %scan3A_28 = arith.constant 1 : i32
      scf.for %scan3A_35 = %scan3A_25 to %scan3A_27 step %scan3A_28  : i32 {
        %mul3A_36 = arith.constant 20736 : i32
        %mul3A_37 = arith.muli %arg1, %mul3A_36 : i32
        %mul3A_38 = arith.constant 128 : i32
        %mul3A_39 = arith.muli %scan3A_35, %mul3A_38 : i32
        %add3A_40 = arith.addi %mul3A_37, %mul3A_39 : i32
        "tpu.region"() ({
          %run_scoped3A = tpu.sem_alloc : memref<!tpu.dma_semaphore, #tpu.memory_space<semaphore_mem>>
          %dma_start3A_45 = tpu.memref_slice %arg4[%add3A_40] : memref<331776xi32, #tpu.memory_space<hbm>> -> memref<128xi32, #tpu.memory_space<hbm>>
          %dma_start3A_46 = tpu.memref_slice %arg4[%add3A_40] : memref<331776xi32, #tpu.memory_space<hbm>> -> memref<128xi32, #tpu.memory_space<hbm>>
          tpu.enqueue_dma source(%dma_start3A_46 : memref<128xi32, #tpu.memory_space<hbm>>) target(%arg10 : memref<128xi32, #tpu.memory_space<vmem>>) target_semaphore(%run_scoped3A : memref<!tpu.dma_semaphore, #tpu.memory_space<semaphore_mem>>)
          %dma_wait3A_47 = tpu.memref_slice %arg4[%add3A_40] : memref<331776xi32, #tpu.memory_space<hbm>> -> memref<128xi32, #tpu.memory_space<hbm>>
          %dma_wait3A_48 = tpu.memref_slice %arg4[%add3A_40] : memref<331776xi32, #tpu.memory_space<hbm>> -> memref<128xi32, #tpu.memory_space<hbm>>
          tpu.wait_dma2 semaphore(%run_scoped3A : memref<!tpu.dma_semaphore, #tpu.memory_space<semaphore_mem>>) src(%dma_wait3A_48 : memref<128xi32, #tpu.memory_space<hbm>>) dst(%arg10 : memref<128xi32, #tpu.memory_space<vmem>>)
          tpu.yield
        }) : () -> ()
        "tpu.region"() ({
          %run_scoped3A = tpu.sem_alloc : memref<!tpu.dma_semaphore, #tpu.memory_space<semaphore_mem>>
          %dma_start3A_45 = tpu.memref_slice %arg5[%add3A_40] : memref<331776xi32, #tpu.memory_space<hbm>> -> memref<128xi32, #tpu.memory_space<hbm>>
          %dma_start3A_46 = tpu.memref_slice %arg5[%add3A_40] : memref<331776xi32, #tpu.memory_space<hbm>> -> memref<128xi32, #tpu.memory_space<hbm>>
          tpu.enqueue_dma source(%dma_start3A_46 : memref<128xi32, #tpu.memory_space<hbm>>) target(%arg11 : memref<128xi32, #tpu.memory_space<vmem>>) target_semaphore(%run_scoped3A : memref<!tpu.dma_semaphore, #tpu.memory_space<semaphore_mem>>)
          %dma_wait3A_47 = tpu.memref_slice %arg5[%add3A_40] : memref<331776xi32, #tpu.memory_space<hbm>> -> memref<128xi32, #tpu.memory_space<hbm>>
          %dma_wait3A_48 = tpu.memref_slice %arg5[%add3A_40] : memref<331776xi32, #tpu.memory_space<hbm>> -> memref<128xi32, #tpu.memory_space<hbm>>
          tpu.wait_dma2 semaphore(%run_scoped3A : memref<!tpu.dma_semaphore, #tpu.memory_space<semaphore_mem>>) src(%dma_wait3A_48 : memref<128xi32, #tpu.memory_space<hbm>>) dst(%arg11 : memref<128xi32, #tpu.memory_space<vmem>>)
          tpu.yield
        }) : () -> ()
        %dma_start3A = arith.constant 0 : i32
        %dma_start3A_41 = arith.constant 0 : i32
        %dma_start3A_42 = tpu.memref_slice %arg2[%dma_start3A, %dma_start3A_41] : memref<10000x128xf32, #tpu.memory_space<hbm>> -> memref<10000x128xf32, #tpu.memory_space<hbm>>
        tpu.enqueue_indirect_dma source(%dma_start3A_42 : memref<10000x128xf32, #tpu.memory_space<hbm>>) target(%arg12 : memref<128x128xf32, #tpu.memory_space<vmem>>) offsets(%arg10 : memref<128xi32, #tpu.memory_space<vmem>>) semaphore(%arg14 : memref<!tpu.dma_semaphore, #tpu.memory_space<semaphore_mem>>)
        %dma_wait3A = arith.constant 0 : i32
        %dma_wait3A_43 = arith.constant 0 : i32
        %dma_wait3A_44 = tpu.memref_slice %arg2[%dma_wait3A, %dma_wait3A_43] : memref<10000x128xf32, #tpu.memory_space<hbm>> -> memref<10000x128xf32, #tpu.memory_space<hbm>>
        tpu.wait_indirect_dma semaphore(%arg14 : memref<!tpu.dma_semaphore, #tpu.memory_space<semaphore_mem>>) src(%dma_wait3A_44 : memref<10000x128xf32, #tpu.memory_space<hbm>>) dst(%arg12 : memref<128x128xf32, #tpu.memory_space<vmem>>)
        "tpu.region"() ({
          %run_scoped3A = tpu.sem_alloc : memref<!tpu.dma_semaphore, #tpu.memory_space<semaphore_mem>>
          %dma_start3A_45 = arith.constant 0 : i32
          %dma_start3A_46 = arith.constant 0 : i32
          %dma_start3A_47 = tpu.memref_slice %arg9[%dma_start3A_45, %dma_start3A_46] : memref<10240x128xf32, #tpu.memory_space<vmem_shared>> -> memref<10240x128xf32, #tpu.memory_space<vmem_shared>>
          tpu.enqueue_indirect_dma source(%arg12 : memref<128x128xf32, #tpu.memory_space<vmem>>) target(%dma_start3A_47 : memref<10240x128xf32, #tpu.memory_space<vmem_shared>>) offsets(%arg11 : memref<128xi32, #tpu.memory_space<vmem>>) semaphore(%run_scoped3A : memref<!tpu.dma_semaphore, #tpu.memory_space<semaphore_mem>>) {add = true}
          %dma_wait3A_48 = arith.constant 0 : i32
          %dma_wait3A_49 = arith.constant 0 : i32
          %dma_wait3A_50 = tpu.memref_slice %arg9[%dma_wait3A_48, %dma_wait3A_49] : memref<10240x128xf32, #tpu.memory_space<vmem_shared>> -> memref<10240x128xf32, #tpu.memory_space<vmem_shared>>
          tpu.wait_indirect_dma semaphore(%run_scoped3A : memref<!tpu.dma_semaphore, #tpu.memory_space<semaphore_mem>>) src(%arg12 : memref<128x128xf32, #tpu.memory_space<vmem>>) dst(%dma_wait3A_50 : memref<10240x128xf32, #tpu.memory_space<vmem_shared>>)
          tpu.yield
        }) : () -> ()
      }
      %scan3A_29 = arith.constant 162 : i32
      %barrier3A_30 = arith.constant 0 : index
      tpu.barrier barrier_id(%barrier3A_30)
      %mul3A_31 = arith.constant 640 : i32
      %mul3A_32 = arith.muli %arg1, %mul3A_31 : i32
      %mul3A_33 = arith.constant 640 : i32
      %mul3A_34 = arith.muli %arg1, %mul3A_33 : i32
      "tpu.region"() ({
        %run_scoped3A = tpu.sem_alloc : memref<!tpu.dma_semaphore, #tpu.memory_space<semaphore_mem>>
        %dma_start3A = arith.constant 0 : i32
        %dma_start3A_35 = tpu.memref_slice %arg7[%mul3A_34, %dma_start3A] : memref<10240x128xf32, #tpu.memory_space<hbm>> -> memref<640x128xf32, #tpu.memory_space<hbm>>
        %dma_start3A_36 = arith.constant 0 : i32
        %dma_start3A_37 = tpu.memref_slice %arg9[%mul3A_32, %dma_start3A_36] : memref<10240x128xf32, #tpu.memory_space<vmem_shared>> -> memref<640x128xf32, #tpu.memory_space<vmem_shared>>
        tpu.enqueue_dma source(%dma_start3A_37 : memref<640x128xf32, #tpu.memory_space<vmem_shared>>) target(%dma_start3A_35 : memref<640x128xf32, #tpu.memory_space<hbm>>) target_semaphore(%run_scoped3A : memref<!tpu.dma_semaphore, #tpu.memory_space<semaphore_mem>>)
        %dma_wait3A = arith.constant 0 : i32
        %dma_wait3A_38 = tpu.memref_slice %arg7[%mul3A_34, %dma_wait3A] : memref<10240x128xf32, #tpu.memory_space<hbm>> -> memref<640x128xf32, #tpu.memory_space<hbm>>
        %dma_wait3A_39 = arith.constant 0 : i32
        %dma_wait3A_40 = tpu.memref_slice %arg9[%mul3A_32, %dma_wait3A_39] : memref<10240x128xf32, #tpu.memory_space<vmem_shared>> -> memref<640x128xf32, #tpu.memory_space<vmem_shared>>
        tpu.wait_dma2 semaphore(%run_scoped3A : memref<!tpu.dma_semaphore, #tpu.memory_space<semaphore_mem>>) src(%dma_wait3A_40 : memref<640x128xf32, #tpu.memory_space<vmem_shared>>) dst(%dma_wait3A_38 : memref<640x128xf32, #tpu.memory_space<hbm>>)
        tpu.yield
      }) : () -> ()
    } else {
    }
    %eq3A_2 = arith.constant 1 : i32
    %eq3A_3 = arith.cmpi eq, %arg0, %eq3A_2 : i32
    %convert_element_type3A_4 = arith.extui %eq3A_3 : i1 to i32
    %cond3A_5 = arith.constant 0 : i32
    %cond3A_6 = arith.cmpi ne, %convert_element_type3A_4, %cond3A_5 : i32
    scf.if %cond3A_6 {
      "tpu.region"() ({
        %run_scoped3A = tpu.sem_alloc : memref<!tpu.dma_semaphore, #tpu.memory_space<semaphore_mem>>
        tpu.enqueue_dma source(%arg6 : memref<128x128xf32, #tpu.memory_space<hbm>>) target(%arg13 : memref<128x128xf32, #tpu.memory_space<vmem>>) target_semaphore(%run_scoped3A : memref<!tpu.dma_semaphore, #tpu.memory_space<semaphore_mem>>)
        tpu.wait_dma2 semaphore(%run_scoped3A : memref<!tpu.dma_semaphore, #tpu.memory_space<semaphore_mem>>) src(%arg6 : memref<128x128xf32, #tpu.memory_space<hbm>>) dst(%arg13 : memref<128x128xf32, #tpu.memory_space<vmem>>)
        tpu.yield
      }) : () -> ()
      %mul3A = arith.constant 640 : i32
      %mul3A_7 = arith.muli %arg1, %mul3A : i32
      %add3A = arith.constant 0 : i32
      %add3A_8 = arith.addi %mul3A_7, %add3A : i32
      "tpu.region"() ({
        %run_scoped3A = tpu.sem_alloc : memref<!tpu.dma_semaphore, #tpu.memory_space<semaphore_mem>>
        %dma_start3A = arith.constant 0 : i32
        %dma_start3A_35 = tpu.memref_slice %arg9[%add3A_8, %dma_start3A] : memref<10240x128xf32, #tpu.memory_space<vmem_shared>> -> memref<128x128xf32, #tpu.memory_space<vmem_shared>>
        %dma_start3A_36 = arith.constant 0 : i32
        %dma_start3A_37 = tpu.memref_slice %arg9[%add3A_8, %dma_start3A_36] : memref<10240x128xf32, #tpu.memory_space<vmem_shared>> -> memref<128x128xf32, #tpu.memory_space<vmem_shared>>
        tpu.enqueue_dma source(%arg13 : memref<128x128xf32, #tpu.memory_space<vmem>>) target(%dma_start3A_37 : memref<128x128xf32, #tpu.memory_space<vmem_shared>>) target_semaphore(%run_scoped3A : memref<!tpu.dma_semaphore, #tpu.memory_space<semaphore_mem>>)
        %dma_wait3A = arith.constant 0 : i32
        %dma_wait3A_38 = tpu.memref_slice %arg9[%add3A_8, %dma_wait3A] : memref<10240x128xf32, #tpu.memory_space<vmem_shared>> -> memref<128x128xf32, #tpu.memory_space<vmem_shared>>
        %dma_wait3A_39 = arith.constant 0 : i32
        %dma_wait3A_40 = tpu.memref_slice %arg9[%add3A_8, %dma_wait3A_39] : memref<10240x128xf32, #tpu.memory_space<vmem_shared>> -> memref<128x128xf32, #tpu.memory_space<vmem_shared>>
        tpu.wait_dma2 semaphore(%run_scoped3A : memref<!tpu.dma_semaphore, #tpu.memory_space<semaphore_mem>>) src(%arg13 : memref<128x128xf32, #tpu.memory_space<vmem>>) dst(%dma_wait3A_40 : memref<128x128xf32, #tpu.memory_space<vmem_shared>>)
        tpu.yield
      }) : () -> ()
      %mul3A_9 = arith.constant 640 : i32
      %mul3A_10 = arith.muli %arg1, %mul3A_9 : i32
      %add3A_11 = arith.constant 128 : i32
      %add3A_12 = arith.addi %mul3A_10, %add3A_11 : i32
      "tpu.region"() ({
        %run_scoped3A = tpu.sem_alloc : memref<!tpu.dma_semaphore, #tpu.memory_space<semaphore_mem>>
        %dma_start3A = arith.constant 0 : i32
        %dma_start3A_35 = tpu.memref_slice %arg9[%add3A_12, %dma_start3A] : memref<10240x128xf32, #tpu.memory_space<vmem_shared>> -> memref<128x128xf32, #tpu.memory_space<vmem_shared>>
        %dma_start3A_36 = arith.constant 0 : i32
        %dma_start3A_37 = tpu.memref_slice %arg9[%add3A_12, %dma_start3A_36] : memref<10240x128xf32, #tpu.memory_space<vmem_shared>> -> memref<128x128xf32, #tpu.memory_space<vmem_shared>>
        tpu.enqueue_dma source(%arg13 : memref<128x128xf32, #tpu.memory_space<vmem>>) target(%dma_start3A_37 : memref<128x128xf32, #tpu.memory_space<vmem_shared>>) target_semaphore(%run_scoped3A : memref<!tpu.dma_semaphore, #tpu.memory_space<semaphore_mem>>)
        %dma_wait3A = arith.constant 0 : i32
        %dma_wait3A_38 = tpu.memref_slice %arg9[%add3A_12, %dma_wait3A] : memref<10240x128xf32, #tpu.memory_space<vmem_shared>> -> memref<128x128xf32, #tpu.memory_space<vmem_shared>>
        %dma_wait3A_39 = arith.constant 0 : i32
        %dma_wait3A_40 = tpu.memref_slice %arg9[%add3A_12, %dma_wait3A_39] : memref<10240x128xf32, #tpu.memory_space<vmem_shared>> -> memref<128x128xf32, #tpu.memory_space<vmem_shared>>
        tpu.wait_dma2 semaphore(%run_scoped3A : memref<!tpu.dma_semaphore, #tpu.memory_space<semaphore_mem>>) src(%arg13 : memref<128x128xf32, #tpu.memory_space<vmem>>) dst(%dma_wait3A_40 : memref<128x128xf32, #tpu.memory_space<vmem_shared>>)
        tpu.yield
      }) : () -> ()
      %mul3A_13 = arith.constant 640 : i32
      %mul3A_14 = arith.muli %arg1, %mul3A_13 : i32
      %add3A_15 = arith.constant 256 : i32
      %add3A_16 = arith.addi %mul3A_14, %add3A_15 : i32
      "tpu.region"() ({
        %run_scoped3A = tpu.sem_alloc : memref<!tpu.dma_semaphore, #tpu.memory_space<semaphore_mem>>
        %dma_start3A = arith.constant 0 : i32
        %dma_start3A_35 = tpu.memref_slice %arg9[%add3A_16, %dma_start3A] : memref<10240x128xf32, #tpu.memory_space<vmem_shared>> -> memref<128x128xf32, #tpu.memory_space<vmem_shared>>
        %dma_start3A_36 = arith.constant 0 : i32
        %dma_start3A_37 = tpu.memref_slice %arg9[%add3A_16, %dma_start3A_36] : memref<10240x128xf32, #tpu.memory_space<vmem_shared>> -> memref<128x128xf32, #tpu.memory_space<vmem_shared>>
        tpu.enqueue_dma source(%arg13 : memref<128x128xf32, #tpu.memory_space<vmem>>) target(%dma_start3A_37 : memref<128x128xf32, #tpu.memory_space<vmem_shared>>) target_semaphore(%run_scoped3A : memref<!tpu.dma_semaphore, #tpu.memory_space<semaphore_mem>>)
        %dma_wait3A = arith.constant 0 : i32
        %dma_wait3A_38 = tpu.memref_slice %arg9[%add3A_16, %dma_wait3A] : memref<10240x128xf32, #tpu.memory_space<vmem_shared>> -> memref<128x128xf32, #tpu.memory_space<vmem_shared>>
        %dma_wait3A_39 = arith.constant 0 : i32
        %dma_wait3A_40 = tpu.memref_slice %arg9[%add3A_16, %dma_wait3A_39] : memref<10240x128xf32, #tpu.memory_space<vmem_shared>> -> memref<128x128xf32, #tpu.memory_space<vmem_shared>>
        tpu.wait_dma2 semaphore(%run_scoped3A : memref<!tpu.dma_semaphore, #tpu.memory_space<semaphore_mem>>) src(%arg13 : memref<128x128xf32, #tpu.memory_space<vmem>>) dst(%dma_wait3A_40 : memref<128x128xf32, #tpu.memory_space<vmem_shared>>)
        tpu.yield
      }) : () -> ()
      %mul3A_17 = arith.constant 640 : i32
      %mul3A_18 = arith.muli %arg1, %mul3A_17 : i32
      %add3A_19 = arith.constant 384 : i32
      %add3A_20 = arith.addi %mul3A_18, %add3A_19 : i32
      "tpu.region"() ({
        %run_scoped3A = tpu.sem_alloc : memref<!tpu.dma_semaphore, #tpu.memory_space<semaphore_mem>>
        %dma_start3A = arith.constant 0 : i32
        %dma_start3A_35 = tpu.memref_slice %arg9[%add3A_20, %dma_start3A] : memref<10240x128xf32, #tpu.memory_space<vmem_shared>> -> memref<128x128xf32, #tpu.memory_space<vmem_shared>>
        %dma_start3A_36 = arith.constant 0 : i32
        %dma_start3A_37 = tpu.memref_slice %arg9[%add3A_20, %dma_start3A_36] : memref<10240x128xf32, #tpu.memory_space<vmem_shared>> -> memref<128x128xf32, #tpu.memory_space<vmem_shared>>
        tpu.enqueue_dma source(%arg13 : memref<128x128xf32, #tpu.memory_space<vmem>>) target(%dma_start3A_37 : memref<128x128xf32, #tpu.memory_space<vmem_shared>>) target_semaphore(%run_scoped3A : memref<!tpu.dma_semaphore, #tpu.memory_space<semaphore_mem>>)
        %dma_wait3A = arith.constant 0 : i32
        %dma_wait3A_38 = tpu.memref_slice %arg9[%add3A_20, %dma_wait3A] : memref<10240x128xf32, #tpu.memory_space<vmem_shared>> -> memref<128x128xf32, #tpu.memory_space<vmem_shared>>
        %dma_wait3A_39 = arith.constant 0 : i32
        %dma_wait3A_40 = tpu.memref_slice %arg9[%add3A_20, %dma_wait3A_39] : memref<10240x128xf32, #tpu.memory_space<vmem_shared>> -> memref<128x128xf32, #tpu.memory_space<vmem_shared>>
        tpu.wait_dma2 semaphore(%run_scoped3A : memref<!tpu.dma_semaphore, #tpu.memory_space<semaphore_mem>>) src(%arg13 : memref<128x128xf32, #tpu.memory_space<vmem>>) dst(%dma_wait3A_40 : memref<128x128xf32, #tpu.memory_space<vmem_shared>>)
        tpu.yield
      }) : () -> ()
      %mul3A_21 = arith.constant 640 : i32
      %mul3A_22 = arith.muli %arg1, %mul3A_21 : i32
      %add3A_23 = arith.constant 512 : i32
      %add3A_24 = arith.addi %mul3A_22, %add3A_23 : i32
      "tpu.region"() ({
        %run_scoped3A = tpu.sem_alloc : memref<!tpu.dma_semaphore, #tpu.memory_space<semaphore_mem>>
        %dma_start3A = arith.constant 0 : i32
        %dma_start3A_35 = tpu.memref_slice %arg9[%add3A_24, %dma_start3A] : memref<10240x128xf32, #tpu.memory_space<vmem_shared>> -> memref<128x128xf32, #tpu.memory_space<vmem_shared>>
        %dma_start3A_36 = arith.constant 0 : i32
        %dma_start3A_37 = tpu.memref_slice %arg9[%add3A_24, %dma_start3A_36] : memref<10240x128xf32, #tpu.memory_space<vmem_shared>> -> memref<128x128xf32, #tpu.memory_space<vmem_shared>>
        tpu.enqueue_dma source(%arg13 : memref<128x128xf32, #tpu.memory_space<vmem>>) target(%dma_start3A_37 : memref<128x128xf32, #tpu.memory_space<vmem_shared>>) target_semaphore(%run_scoped3A : memref<!tpu.dma_semaphore, #tpu.memory_space<semaphore_mem>>)
        %dma_wait3A = arith.constant 0 : i32
        %dma_wait3A_38 = tpu.memref_slice %arg9[%add3A_24, %dma_wait3A] : memref<10240x128xf32, #tpu.memory_space<vmem_shared>> -> memref<128x128xf32, #tpu.memory_space<vmem_shared>>
        %dma_wait3A_39 = arith.constant 0 : i32
        %dma_wait3A_40 = tpu.memref_slice %arg9[%add3A_24, %dma_wait3A_39] : memref<10240x128xf32, #tpu.memory_space<vmem_shared>> -> memref<128x128xf32, #tpu.memory_space<vmem_shared>>
        tpu.wait_dma2 semaphore(%run_scoped3A : memref<!tpu.dma_semaphore, #tpu.memory_space<semaphore_mem>>) src(%arg13 : memref<128x128xf32, #tpu.memory_space<vmem>>) dst(%dma_wait3A_40 : memref<128x128xf32, #tpu.memory_space<vmem_shared>>)
        tpu.yield
      }) : () -> ()
      %barrier3A = arith.constant 0 : index
      tpu.barrier barrier_id(%barrier3A)
      %scan3A = arith.constant 0 : i32
      %scan3A_25 = arith.constant 0 : i32
      %scan3A_26 = arith.constant 162 : i32
      %scan3A_27 = arith.addi %scan3A_25, %scan3A_26 : i32
      %scan3A_28 = arith.constant 1 : i32
      scf.for %scan3A_35 = %scan3A_25 to %scan3A_27 step %scan3A_28  : i32 {
        %mul3A_36 = arith.constant 20736 : i32
        %mul3A_37 = arith.muli %arg1, %mul3A_36 : i32
        %mul3A_38 = arith.constant 128 : i32
        %mul3A_39 = arith.muli %scan3A_35, %mul3A_38 : i32
        %add3A_40 = arith.addi %mul3A_37, %mul3A_39 : i32
        "tpu.region"() ({
          %run_scoped3A = tpu.sem_alloc : memref<!tpu.dma_semaphore, #tpu.memory_space<semaphore_mem>>
          %dma_start3A_45 = tpu.memref_slice %arg4[%add3A_40] : memref<331776xi32, #tpu.memory_space<hbm>> -> memref<128xi32, #tpu.memory_space<hbm>>
          %dma_start3A_46 = tpu.memref_slice %arg4[%add3A_40] : memref<331776xi32, #tpu.memory_space<hbm>> -> memref<128xi32, #tpu.memory_space<hbm>>
          tpu.enqueue_dma source(%dma_start3A_46 : memref<128xi32, #tpu.memory_space<hbm>>) target(%arg10 : memref<128xi32, #tpu.memory_space<vmem>>) target_semaphore(%run_scoped3A : memref<!tpu.dma_semaphore, #tpu.memory_space<semaphore_mem>>)
          %dma_wait3A_47 = tpu.memref_slice %arg4[%add3A_40] : memref<331776xi32, #tpu.memory_space<hbm>> -> memref<128xi32, #tpu.memory_space<hbm>>
          %dma_wait3A_48 = tpu.memref_slice %arg4[%add3A_40] : memref<331776xi32, #tpu.memory_space<hbm>> -> memref<128xi32, #tpu.memory_space<hbm>>
          tpu.wait_dma2 semaphore(%run_scoped3A : memref<!tpu.dma_semaphore, #tpu.memory_space<semaphore_mem>>) src(%dma_wait3A_48 : memref<128xi32, #tpu.memory_space<hbm>>) dst(%arg10 : memref<128xi32, #tpu.memory_space<vmem>>)
          tpu.yield
        }) : () -> ()
        "tpu.region"() ({
          %run_scoped3A = tpu.sem_alloc : memref<!tpu.dma_semaphore, #tpu.memory_space<semaphore_mem>>
          %dma_start3A_45 = tpu.memref_slice %arg5[%add3A_40] : memref<331776xi32, #tpu.memory_space<hbm>> -> memref<128xi32, #tpu.memory_space<hbm>>
          %dma_start3A_46 = tpu.memref_slice %arg5[%add3A_40] : memref<331776xi32, #tpu.memory_space<hbm>> -> memref<128xi32, #tpu.memory_space<hbm>>
          tpu.enqueue_dma source(%dma_start3A_46 : memref<128xi32, #tpu.memory_space<hbm>>) target(%arg11 : memref<128xi32, #tpu.memory_space<vmem>>) target_semaphore(%run_scoped3A : memref<!tpu.dma_semaphore, #tpu.memory_space<semaphore_mem>>)
          %dma_wait3A_47 = tpu.memref_slice %arg5[%add3A_40] : memref<331776xi32, #tpu.memory_space<hbm>> -> memref<128xi32, #tpu.memory_space<hbm>>
          %dma_wait3A_48 = tpu.memref_slice %arg5[%add3A_40] : memref<331776xi32, #tpu.memory_space<hbm>> -> memref<128xi32, #tpu.memory_space<hbm>>
          tpu.wait_dma2 semaphore(%run_scoped3A : memref<!tpu.dma_semaphore, #tpu.memory_space<semaphore_mem>>) src(%dma_wait3A_48 : memref<128xi32, #tpu.memory_space<hbm>>) dst(%arg11 : memref<128xi32, #tpu.memory_space<vmem>>)
          tpu.yield
        }) : () -> ()
        %dma_start3A = arith.constant 0 : i32
        %dma_start3A_41 = arith.constant 0 : i32
        %dma_start3A_42 = tpu.memref_slice %arg3[%dma_start3A, %dma_start3A_41] : memref<10000x128xf32, #tpu.memory_space<hbm>> -> memref<10000x128xf32, #tpu.memory_space<hbm>>
        tpu.enqueue_indirect_dma source(%dma_start3A_42 : memref<10000x128xf32, #tpu.memory_space<hbm>>) target(%arg12 : memref<128x128xf32, #tpu.memory_space<vmem>>) offsets(%arg10 : memref<128xi32, #tpu.memory_space<vmem>>) semaphore(%arg14 : memref<!tpu.dma_semaphore, #tpu.memory_space<semaphore_mem>>)
        %dma_wait3A = arith.constant 0 : i32
        %dma_wait3A_43 = arith.constant 0 : i32
        %dma_wait3A_44 = tpu.memref_slice %arg3[%dma_wait3A, %dma_wait3A_43] : memref<10000x128xf32, #tpu.memory_space<hbm>> -> memref<10000x128xf32, #tpu.memory_space<hbm>>
        tpu.wait_indirect_dma semaphore(%arg14 : memref<!tpu.dma_semaphore, #tpu.memory_space<semaphore_mem>>) src(%dma_wait3A_44 : memref<10000x128xf32, #tpu.memory_space<hbm>>) dst(%arg12 : memref<128x128xf32, #tpu.memory_space<vmem>>)
        "tpu.region"() ({
          %run_scoped3A = tpu.sem_alloc : memref<!tpu.dma_semaphore, #tpu.memory_space<semaphore_mem>>
          %dma_start3A_45 = arith.constant 0 : i32
          %dma_start3A_46 = arith.constant 0 : i32
          %dma_start3A_47 = tpu.memref_slice %arg9[%dma_start3A_45, %dma_start3A_46] : memref<10240x128xf32, #tpu.memory_space<vmem_shared>> -> memref<10240x128xf32, #tpu.memory_space<vmem_shared>>
          tpu.enqueue_indirect_dma source(%arg12 : memref<128x128xf32, #tpu.memory_space<vmem>>) target(%dma_start3A_47 : memref<10240x128xf32, #tpu.memory_space<vmem_shared>>) offsets(%arg11 : memref<128xi32, #tpu.memory_space<vmem>>) semaphore(%run_scoped3A : memref<!tpu.dma_semaphore, #tpu.memory_space<semaphore_mem>>) {add = true}
          %dma_wait3A_48 = arith.constant 0 : i32
          %dma_wait3A_49 = arith.constant 0 : i32
          %dma_wait3A_50 = tpu.memref_slice %arg9[%dma_wait3A_48, %dma_wait3A_49] : memref<10240x128xf32, #tpu.memory_space<vmem_shared>> -> memref<10240x128xf32, #tpu.memory_space<vmem_shared>>
          tpu.wait_indirect_dma semaphore(%run_scoped3A : memref<!tpu.dma_semaphore, #tpu.memory_space<semaphore_mem>>) src(%arg12 : memref<128x128xf32, #tpu.memory_space<vmem>>) dst(%dma_wait3A_50 : memref<10240x128xf32, #tpu.memory_space<vmem_shared>>)
          tpu.yield
        }) : () -> ()
      }
      %scan3A_29 = arith.constant 162 : i32
      %barrier3A_30 = arith.constant 0 : index
      tpu.barrier barrier_id(%barrier3A_30)
      %mul3A_31 = arith.constant 640 : i32
      %mul3A_32 = arith.muli %arg1, %mul3A_31 : i32
      %mul3A_33 = arith.constant 640 : i32
      %mul3A_34 = arith.muli %arg1, %mul3A_33 : i32
      "tpu.region"() ({
        %run_scoped3A = tpu.sem_alloc : memref<!tpu.dma_semaphore, #tpu.memory_space<semaphore_mem>>
        %dma_start3A = arith.constant 0 : i32
        %dma_start3A_35 = tpu.memref_slice %arg8[%mul3A_34, %dma_start3A] : memref<10240x128xf32, #tpu.memory_space<hbm>> -> memref<640x128xf32, #tpu.memory_space<hbm>>
        %dma_start3A_36 = arith.constant 0 : i32
        %dma_start3A_37 = tpu.memref_slice %arg9[%mul3A_32, %dma_start3A_36] : memref<10240x128xf32, #tpu.memory_space<vmem_shared>> -> memref<640x128xf32, #tpu.memory_space<vmem_shared>>
        tpu.enqueue_dma source(%dma_start3A_37 : memref<640x128xf32, #tpu.memory_space<vmem_shared>>) target(%dma_start3A_35 : memref<640x128xf32, #tpu.memory_space<hbm>>) target_semaphore(%run_scoped3A : memref<!tpu.dma_semaphore, #tpu.memory_space<semaphore_mem>>)
        %dma_wait3A = arith.constant 0 : i32
        %dma_wait3A_38 = tpu.memref_slice %arg8[%mul3A_34, %dma_wait3A] : memref<10240x128xf32, #tpu.memory_space<hbm>> -> memref<640x128xf32, #tpu.memory_space<hbm>>
        %dma_wait3A_39 = arith.constant 0 : i32
        %dma_wait3A_40 = tpu.memref_slice %arg9[%mul3A_32, %dma_wait3A_39] : memref<10240x128xf32, #tpu.memory_space<vmem_shared>> -> memref<640x128xf32, #tpu.memory_space<vmem_shared>>
        tpu.wait_dma2 semaphore(%run_scoped3A : memref<!tpu.dma_semaphore, #tpu.memory_space<semaphore_mem>>) src(%dma_wait3A_40 : memref<640x128xf32, #tpu.memory_space<vmem_shared>>) dst(%dma_wait3A_38 : memref<640x128xf32, #tpu.memory_space<hbm>>)
        tpu.yield
      }) : () -> ()
    } else {
    }
    return
  }
}

module attributes {stable_mosaic.version = 14 : i64} {
  func.func @_tc_layer1_body(%arg0: memref<10000x128xf32, #tpu.memory_space<vmem>>, %arg1: memref<10240x128xf32, #tpu.memory_space<vmem>>, %arg2: memref<10240x16xf32, #tpu.memory_space<vmem>>, %arg3: memref<128x128xf32, #tpu.memory_space<vmem>>, %arg4: memref<10000x128xf32, #tpu.memory_space<vmem>>, %arg5: memref<10000x128xf32, #tpu.memory_space<vmem>>, %arg6: memref<10000x1xf32, #tpu.memory_space<vmem>>) attributes {dimension_semantics = [], scalar_prefetch = 0 : i64, scratch_operands = 0 : i64, tpu.core_type = #tpu.core_type<tc>} {
    %get3A = arith.constant 0 : index
    %get3A_0 = arith.constant 0 : index
    %get3A_1 = vector.load %arg2[%get3A, %get3A_0] : memref<10240x16xf32, #tpu.memory_space<vmem>>, vector<10240x16xf32>
    %slice3A = vector.extract_strided_slice %get3A_1 {offsets = [0, 0], sizes = [10000, 1], strides = [1, 1]} : vector<10240x16xf32> to vector<10000x1xf32>
    %rsqrt3A = math.rsqrt %slice3A : vector<10000x1xf32>
    %get3A_2 = arith.constant 0 : index
    %get3A_3 = arith.constant 0 : index
    %get3A_4 = vector.load %arg3[%get3A_2, %get3A_3] : memref<128x128xf32, #tpu.memory_space<vmem>>, vector<128x128xf32>
    %get3A_5 = arith.constant 0 : index
    %get3A_6 = arith.constant 0 : index
    %get3A_7 = vector.load %arg0[%get3A_5, %get3A_6] : memref<10000x128xf32, #tpu.memory_space<vmem>>, vector<10000x128xf32>
    %dot_general3A = arith.constant dense<0.000000e+00> : vector<10000x128xf32>
    %dot_general3A_8 = tpu.matmul %get3A_7, %get3A_4, %dot_general3A {dimension_numbers = #tpu.dot_dimension_numbers<[1], [0], [0], [1], [0, 0, 1, 1], [], []>, transpose_lhs_hint = false} : vector<10000x128xf32>, vector<128x128xf32>, vector<10000x128xf32> -> vector<10000x128xf32>
    %mul3A = vector.broadcast %rsqrt3A : vector<10000x1xf32> to vector<10000x128xf32>
    %mul3A_9 = arith.mulf %dot_general3A_8, %mul3A : vector<10000x128xf32>
    %swap3A = arith.constant 0 : index
    %swap3A_10 = arith.constant 0 : index
    %swap3A_11 = vector.load %arg4[%swap3A, %swap3A_10] : memref<10000x128xf32, #tpu.memory_space<vmem>>, vector<10000x128xf32>
    tpu.vector_store %arg4[%swap3A, %swap3A_10], %mul3A_9 {strides = array<i32>} : memref<10000x128xf32, #tpu.memory_space<vmem>>, vector<10000x128xf32>,
    %get3A_12 = arith.constant 0 : index
    %get3A_13 = arith.constant 0 : index
    %get3A_14 = vector.load %arg1[%get3A_12, %get3A_13] : memref<10240x128xf32, #tpu.memory_space<vmem>>, vector<10240x128xf32>
    %slice3A_15 = vector.extract_strided_slice %get3A_14 {offsets = [0, 0], sizes = [10000, 128], strides = [1, 1]} : vector<10240x128xf32> to vector<10000x128xf32>
    %dot_general3A_16 = arith.constant dense<0.000000e+00> : vector<10000x128xf32>
    %dot_general3A_17 = tpu.matmul %slice3A_15, %get3A_4, %dot_general3A_16 {dimension_numbers = #tpu.dot_dimension_numbers<[1], [0], [0], [1], [0, 0, 1, 1], [], []>, transpose_lhs_hint = false} : vector<10000x128xf32>, vector<128x128xf32>, vector<10000x128xf32> -> vector<10000x128xf32>
    %mul3A_18 = vector.broadcast %rsqrt3A : vector<10000x1xf32> to vector<10000x128xf32>
    %mul3A_19 = arith.mulf %dot_general3A_17, %mul3A_18 : vector<10000x128xf32>
    %swap3A_20 = arith.constant 0 : index
    %swap3A_21 = arith.constant 0 : index
    %swap3A_22 = vector.load %arg5[%swap3A_20, %swap3A_21] : memref<10000x128xf32, #tpu.memory_space<vmem>>, vector<10000x128xf32>
    tpu.vector_store %arg5[%swap3A_20, %swap3A_21], %mul3A_19 {strides = array<i32>} : memref<10000x128xf32, #tpu.memory_space<vmem>>, vector<10000x128xf32>,
    %swap3A_23 = arith.constant 0 : index
    %swap3A_24 = arith.constant 0 : index
    %swap3A_25 = vector.load %arg6[%swap3A_23, %swap3A_24] : memref<10000x1xf32, #tpu.memory_space<vmem>>, vector<10000x1xf32>
    tpu.vector_store %arg6[%swap3A_23, %swap3A_24], %rsqrt3A {strides = array<i32>} : memref<10000x1xf32, #tpu.memory_space<vmem>>, vector<10000x1xf32>,
    return
  }
}

module attributes {stable_mosaic.version = 14 : i64} {
  func.func @_tc_layer2_body(%arg0: memref<10240x128xf32, #tpu.memory_space<vmem>>, %arg1: memref<10240x128xf32, #tpu.memory_space<vmem>>, %arg2: memref<10000x1xf32, #tpu.memory_space<vmem>>, %arg3: memref<128xf32, #tpu.memory_space<vmem>>, %arg4: memref<128x128xf32, #tpu.memory_space<vmem>>, %arg5: memref<10000x128xf32, #tpu.memory_space<vmem>>, %arg6: memref<10000x128xf32, #tpu.memory_space<vmem>>) attributes {dimension_semantics = [], scalar_prefetch = 0 : i64, scratch_operands = 0 : i64, tpu.core_type = #tpu.core_type<tc>} {
    %get3A = arith.constant 0 : index
    %get3A_0 = arith.constant 0 : index
    %get3A_1 = vector.load %arg2[%get3A, %get3A_0] : memref<10000x1xf32, #tpu.memory_space<vmem>>, vector<10000x1xf32>
    %get3A_2 = arith.constant 0 : index
    %get3A_3 = vector.load %arg3[%get3A_2] : memref<128xf32, #tpu.memory_space<vmem>>, vector<128xf32>
    %get3A_4 = arith.constant 0 : index
    %get3A_5 = arith.constant 0 : index
    %get3A_6 = vector.load %arg4[%get3A_4, %get3A_5] : memref<128x128xf32, #tpu.memory_space<vmem>>, vector<128x128xf32>
    %get3A_7 = arith.constant 0 : index
    %get3A_8 = arith.constant 0 : index
    %get3A_9 = vector.load %arg0[%get3A_7, %get3A_8] : memref<10240x128xf32, #tpu.memory_space<vmem>>, vector<10240x128xf32>
    %slice3A = vector.extract_strided_slice %get3A_9 {offsets = [0, 0], sizes = [10000, 128], strides = [1, 1]} : vector<10240x128xf32> to vector<10000x128xf32>
    %mul3A = vector.broadcast %get3A_1 : vector<10000x1xf32> to vector<10000x128xf32>
    %mul3A_10 = arith.mulf %slice3A, %mul3A : vector<10000x128xf32>
    %gt3A = arith.constant 0.000000e+00 : f32
    %gt3A_11 = vector.broadcast %gt3A : f32 to vector<10000x128xf32>
    %gt3A_12 = arith.cmpf ogt, %mul3A_10, %gt3A_11 : vector<10000x128xf32>
    %broadcast_in_dim3A = vector.shape_cast %get3A_3 : vector<128xf32> to vector<1x128xf32>
    %mul3A_13 = vector.broadcast %broadcast_in_dim3A : vector<1x128xf32> to vector<10000x128xf32>
    %mul3A_14 = arith.mulf %mul3A_13, %mul3A_10 : vector<10000x128xf32>
    %select_n3A = arith.select %gt3A_12, %mul3A_10, %mul3A_14 : vector<10000x128xi1>, vector<10000x128xf32>
    %dot_general3A = arith.constant dense<0.000000e+00> : vector<10000x128xf32>
    %dot_general3A_15 = tpu.matmul %select_n3A, %get3A_6, %dot_general3A {dimension_numbers = #tpu.dot_dimension_numbers<[1], [0], [0], [1], [0, 0, 1, 1], [], []>, transpose_lhs_hint = false} : vector<10000x128xf32>, vector<128x128xf32>, vector<10000x128xf32> -> vector<10000x128xf32>
    %mul3A_16 = vector.broadcast %get3A_1 : vector<10000x1xf32> to vector<10000x128xf32>
    %mul3A_17 = arith.mulf %dot_general3A_15, %mul3A_16 : vector<10000x128xf32>
    %swap3A = arith.constant 0 : index
    %swap3A_18 = arith.constant 0 : index
    %swap3A_19 = vector.load %arg5[%swap3A, %swap3A_18] : memref<10000x128xf32, #tpu.memory_space<vmem>>, vector<10000x128xf32>
    tpu.vector_store %arg5[%swap3A, %swap3A_18], %mul3A_17 {strides = array<i32>} : memref<10000x128xf32, #tpu.memory_space<vmem>>, vector<10000x128xf32>,
    %get3A_20 = arith.constant 0 : index
    %get3A_21 = arith.constant 0 : index
    %get3A_22 = vector.load %arg1[%get3A_20, %get3A_21] : memref<10240x128xf32, #tpu.memory_space<vmem>>, vector<10240x128xf32>
    %slice3A_23 = vector.extract_strided_slice %get3A_22 {offsets = [0, 0], sizes = [10000, 128], strides = [1, 1]} : vector<10240x128xf32> to vector<10000x128xf32>
    %mul3A_24 = vector.broadcast %get3A_1 : vector<10000x1xf32> to vector<10000x128xf32>
    %mul3A_25 = arith.mulf %slice3A_23, %mul3A_24 : vector<10000x128xf32>
    %gt3A_26 = arith.constant 0.000000e+00 : f32
    %gt3A_27 = vector.broadcast %gt3A_26 : f32 to vector<10000x128xf32>
    %gt3A_28 = arith.cmpf ogt, %mul3A_25, %gt3A_27 : vector<10000x128xf32>
    %broadcast_in_dim3A_29 = vector.shape_cast %get3A_3 : vector<128xf32> to vector<1x128xf32>
    %mul3A_30 = vector.broadcast %broadcast_in_dim3A_29 : vector<1x128xf32> to vector<10000x128xf32>
    %mul3A_31 = arith.mulf %mul3A_30, %mul3A_25 : vector<10000x128xf32>
    %select_n3A_32 = arith.select %gt3A_28, %mul3A_25, %mul3A_31 : vector<10000x128xi1>, vector<10000x128xf32>
    %dot_general3A_33 = arith.constant dense<0.000000e+00> : vector<10000x128xf32>
    %dot_general3A_34 = tpu.matmul %select_n3A_32, %get3A_6, %dot_general3A_33 {dimension_numbers = #tpu.dot_dimension_numbers<[1], [0], [0], [1], [0, 0, 1, 1], [], []>, transpose_lhs_hint = false} : vector<10000x128xf32>, vector<128x128xf32>, vector<10000x128xf32> -> vector<10000x128xf32>
    %mul3A_35 = vector.broadcast %get3A_1 : vector<10000x1xf32> to vector<10000x128xf32>
    %mul3A_36 = arith.mulf %dot_general3A_34, %mul3A_35 : vector<10000x128xf32>
    %swap3A_37 = arith.constant 0 : index
    %swap3A_38 = arith.constant 0 : index
    %swap3A_39 = vector.load %arg6[%swap3A_37, %swap3A_38] : memref<10000x128xf32, #tpu.memory_space<vmem>>, vector<10000x128xf32>
    tpu.vector_store %arg6[%swap3A_37, %swap3A_38], %mul3A_36 {strides = array<i32>} : memref<10000x128xf32, #tpu.memory_space<vmem>>, vector<10000x128xf32>,
    return
  }
}

module attributes {stable_mosaic.version = 14 : i64} {
  func.func @_tc_finish_body(%arg0: memref<10240x128xf32, #tpu.memory_space<vmem>>, %arg1: memref<10240x128xf32, #tpu.memory_space<vmem>>, %arg2: memref<10000x1xf32, #tpu.memory_space<vmem>>, %arg3: memref<128xf32, #tpu.memory_space<vmem>>, %arg4: memref<128x128xf32, #tpu.memory_space<vmem>>, %arg5: memref<1x1xf32, #tpu.memory_space<vmem>>) attributes {dimension_semantics = [], scalar_prefetch = 0 : i64, scratch_operands = 0 : i64, tpu.core_type = #tpu.core_type<tc>} {
    %get3A = arith.constant 0 : index
    %get3A_0 = arith.constant 0 : index
    %get3A_1 = vector.load %arg2[%get3A, %get3A_0] : memref<10000x1xf32, #tpu.memory_space<vmem>>, vector<10000x1xf32>
    %get3A_2 = arith.constant 0 : index
    %get3A_3 = vector.load %arg3[%get3A_2] : memref<128xf32, #tpu.memory_space<vmem>>, vector<128xf32>
    %get3A_4 = arith.constant 0 : index
    %get3A_5 = arith.constant 0 : index
    %get3A_6 = vector.load %arg0[%get3A_4, %get3A_5] : memref<10240x128xf32, #tpu.memory_space<vmem>>, vector<10240x128xf32>
    %slice3A = vector.extract_strided_slice %get3A_6 {offsets = [0, 0], sizes = [10000, 128], strides = [1, 1]} : vector<10240x128xf32> to vector<10000x128xf32>
    %mul3A = vector.broadcast %get3A_1 : vector<10000x1xf32> to vector<10000x128xf32>
    %mul3A_7 = arith.mulf %slice3A, %mul3A : vector<10000x128xf32>
    %gt3A = arith.constant 0.000000e+00 : f32
    %gt3A_8 = vector.broadcast %gt3A : f32 to vector<10000x128xf32>
    %gt3A_9 = arith.cmpf ogt, %mul3A_7, %gt3A_8 : vector<10000x128xf32>
    %broadcast_in_dim3A = vector.shape_cast %get3A_3 : vector<128xf32> to vector<1x128xf32>
    %mul3A_10 = vector.broadcast %broadcast_in_dim3A : vector<1x128xf32> to vector<10000x128xf32>
    %mul3A_11 = arith.mulf %mul3A_10, %mul3A_7 : vector<10000x128xf32>
    %select_n3A = arith.select %gt3A_9, %mul3A_7, %mul3A_11 : vector<10000x128xi1>, vector<10000x128xf32>
    %get3A_12 = arith.constant 0 : index
    %get3A_13 = arith.constant 0 : index
    %get3A_14 = vector.load %arg1[%get3A_12, %get3A_13] : memref<10240x128xf32, #tpu.memory_space<vmem>>, vector<10240x128xf32>
    %slice3A_15 = vector.extract_strided_slice %get3A_14 {offsets = [0, 0], sizes = [10000, 128], strides = [1, 1]} : vector<10240x128xf32> to vector<10000x128xf32>
    %mul3A_16 = vector.broadcast %get3A_1 : vector<10000x1xf32> to vector<10000x128xf32>
    %mul3A_17 = arith.mulf %slice3A_15, %mul3A_16 : vector<10000x128xf32>
    %gt3A_18 = arith.constant 0.000000e+00 : f32
    %gt3A_19 = vector.broadcast %gt3A_18 : f32 to vector<10000x128xf32>
    %gt3A_20 = arith.cmpf ogt, %mul3A_17, %gt3A_19 : vector<10000x128xf32>
    %broadcast_in_dim3A_21 = vector.shape_cast %get3A_3 : vector<128xf32> to vector<1x128xf32>
    %mul3A_22 = vector.broadcast %broadcast_in_dim3A_21 : vector<1x128xf32> to vector<10000x128xf32>
    %mul3A_23 = arith.mulf %mul3A_22, %mul3A_17 : vector<10000x128xf32>
    %select_n3A_24 = arith.select %gt3A_20, %mul3A_17, %mul3A_23 : vector<10000x128xi1>, vector<10000x128xf32>
    %reduce_sum3A = arith.constant dense<0.000000e+00> : vector<128xf32>
    %reduce_sum3A_25 = vector.multi_reduction <add>, %select_n3A, %reduce_sum3A [0] : vector<10000x128xf32> to vector<128xf32>
    %div3A = arith.constant 1.000000e+04 : f32
    %div3A_26 = vector.broadcast %div3A : f32 to vector<128xf32>
    %div3A_27 = arith.divf %reduce_sum3A_25, %div3A_26 : vector<128xf32>
    %logistic3A = arith.negf %div3A_27 : vector<128xf32>
    %logistic3A_28 = math.exp %logistic3A : vector<128xf32>
    %logistic3A_29 = arith.constant 1.000000e+00 : f32
    %logistic3A_30 = vector.broadcast %logistic3A_29 : f32 to vector<128xf32>
    %logistic3A_31 = arith.addf %logistic3A_30, %logistic3A_28 : vector<128xf32>
    %logistic3A_32 = arith.divf %logistic3A_30, %logistic3A_31 : vector<128xf32>
    %get3A_33 = arith.constant 0 : index
    %get3A_34 = arith.constant 0 : index
    %get3A_35 = vector.load %arg4[%get3A_33, %get3A_34] : memref<128x128xf32, #tpu.memory_space<vmem>>, vector<128x128xf32>
    %broadcast_in_dim3A_36 = vector.shape_cast %logistic3A_32 : vector<128xf32> to vector<128x1xf32>
    %dot_general3A = arith.constant dense<0.000000e+00> : vector<128x1xf32>
    %dot_general3A_37 = tpu.matmul %get3A_35, %broadcast_in_dim3A_36, %dot_general3A {dimension_numbers = #tpu.dot_dimension_numbers<[1], [0], [0], [1], [0, 0, 1, 1], [], []>, transpose_lhs_hint = false} : vector<128x128xf32>, vector<128x1xf32>, vector<128x1xf32> -> vector<128x1xf32>
    %dot_general3A_38 = arith.constant dense<0.000000e+00> : vector<10000x1xf32>
    %dot_general3A_39 = tpu.matmul %select_n3A, %dot_general3A_37, %dot_general3A_38 {dimension_numbers = #tpu.dot_dimension_numbers<[1], [0], [0], [1], [0, 0, 1, 1], [], []>, transpose_lhs_hint = false} : vector<10000x128xf32>, vector<128x1xf32>, vector<10000x1xf32> -> vector<10000x1xf32>
    %dot_general3A_40 = arith.constant dense<0.000000e+00> : vector<10000x1xf32>
    %dot_general3A_41 = tpu.matmul %select_n3A_24, %dot_general3A_37, %dot_general3A_40 {dimension_numbers = #tpu.dot_dimension_numbers<[1], [0], [0], [1], [0, 0, 1, 1], [], []>, transpose_lhs_hint = false} : vector<10000x128xf32>, vector<128x1xf32>, vector<10000x1xf32> -> vector<10000x1xf32>
    %neg3A = arith.constant 0.000000e+00 : f32
    %neg3A_42 = vector.broadcast %neg3A : f32 to vector<10000x1xf32>
    %neg3A_43 = arith.subf %neg3A_42, %dot_general3A_39 : vector<10000x1xf32>
    %max3A = arith.constant 0.000000e+00 : f32
    %max3A_44 = vector.broadcast %max3A : f32 to vector<10000x1xf32>
    %max3A_45 = arith.maximumf %neg3A_43, %max3A_44 : vector<10000x1xf32>
    %abs3A = math.absf %neg3A_43 : vector<10000x1xf32>
    %neg3A_46 = arith.constant 0.000000e+00 : f32
    %neg3A_47 = vector.broadcast %neg3A_46 : f32 to vector<10000x1xf32>
    %neg3A_48 = arith.subf %neg3A_47, %abs3A : vector<10000x1xf32>
    %exp3A = math.exp %neg3A_48 : vector<10000x1xf32>
    %log1p3A = math.log1p %exp3A : vector<10000x1xf32>
    %add3A = arith.addf %max3A_45, %log1p3A : vector<10000x1xf32>
    %reduce_sum3A_49 = vector.shape_cast %add3A : vector<10000x1xf32> to vector<1x10000x1xf32>
    %reduce_sum3A_50 = arith.constant dense<0.000000e+00> : vector<1xf32>
    %reduce_sum3A_51 = vector.multi_reduction <add>, %reduce_sum3A_49, %reduce_sum3A_50 [1, 2] : vector<1x10000x1xf32> to vector<1xf32>
    %reduce_sum3A_52 = vector.shape_cast %reduce_sum3A_51 : vector<1xf32> to vector<1x1x1xf32>
    %reduce_sum3A_53 = vector.extract %reduce_sum3A_52[0, 0, 0] : f32 from vector<1x1x1xf32>
    %div3A_54 = arith.constant 1.000000e+04 : f32
    %div3A_55 = arith.divf %reduce_sum3A_53, %div3A_54 : f32
    %max3A_56 = arith.constant 0.000000e+00 : f32
    %max3A_57 = vector.broadcast %max3A_56 : f32 to vector<10000x1xf32>
    %max3A_58 = arith.maximumf %dot_general3A_41, %max3A_57 : vector<10000x1xf32>
    %abs3A_59 = math.absf %dot_general3A_41 : vector<10000x1xf32>
    %neg3A_60 = arith.constant 0.000000e+00 : f32
    %neg3A_61 = vector.broadcast %neg3A_60 : f32 to vector<10000x1xf32>
    %neg3A_62 = arith.subf %neg3A_61, %abs3A_59 : vector<10000x1xf32>
    %exp3A_63 = math.exp %neg3A_62 : vector<10000x1xf32>
    %log1p3A_64 = math.log1p %exp3A_63 : vector<10000x1xf32>
    %add3A_65 = arith.addf %max3A_58, %log1p3A_64 : vector<10000x1xf32>
    %reduce_sum3A_66 = vector.shape_cast %add3A_65 : vector<10000x1xf32> to vector<1x10000x1xf32>
    %reduce_sum3A_67 = arith.constant dense<0.000000e+00> : vector<1xf32>
    %reduce_sum3A_68 = vector.multi_reduction <add>, %reduce_sum3A_66, %reduce_sum3A_67 [1, 2] : vector<1x10000x1xf32> to vector<1xf32>
    %reduce_sum3A_69 = vector.shape_cast %reduce_sum3A_68 : vector<1xf32> to vector<1x1x1xf32>
    %reduce_sum3A_70 = vector.extract %reduce_sum3A_69[0, 0, 0] : f32 from vector<1x1x1xf32>
    %div3A_71 = arith.constant 1.000000e+04 : f32
    %div3A_72 = arith.divf %reduce_sum3A_70, %div3A_71 : f32
    %add3A_73 = arith.addf %div3A_55, %div3A_72 : f32
    %reshape3A = vector.broadcast %add3A_73 : f32 to vector<1x1xf32>
    %swap3A = arith.constant 0 : index
    %swap3A_74 = arith.constant 0 : index
    %swap3A_75 = vector.load %arg5[%swap3A, %swap3A_74] : memref<1x1xf32, #tpu.memory_space<vmem>>, vector<1x1xf32>
    tpu.vector_store %arg5[%swap3A, %swap3A_74], %reshape3A {strides = array<i32>} : memref<1x1xf32, #tpu.memory_space<vmem>>, vector<1x1xf32>,
    return
  }
}

</mosaic_0001>

<sc_bundles>
// kernel: kernel.11.cloned.1.call-start
scs
__scs_entry_jumppad:
0x0: {  	(pc) =	sbr.rel $0x88, $3  }
0x1: {  	(tag) =	ssettag $0x0;
	lr =	simm.s32 $0x1  }
0x2: {  	[smem:$0x3F9A] =	sst lr;
	_ =	strace $0xD0000000  }
0x3: {  	_ = 	snop  }
0x4: {  	_ = 	snop  }
0x5: {  	_ = 	snop  }
0x6: {  	_ = 	snop  }
0x7: {  	_ = 	snop  }
__scs_overlays_trampoline_lowered:
0x8: {  	[smem:$0x3FA9] =	sst s0  }
0x9: {  	[smem:$0x3FAA] =	sst s1  }
0xa: {  	[smem:$0x3FAB] =	sst s2  }
0xb: {  	[smem:$0x3FAC] =	sst s3  }
0xc: {  	[smem:$0x3FAD] =	sst s4  }
0xd: {  	[smem:$0x3FAE] =	sst s5  }
0xe: {  	[smem:$0x3FAF] =	sst s6  }
0xf: {  	[smem:$0x3FB0] =	sst s7  }
0x10: {  	[smem:$0x3FB1] =	sst s8  }
0x11: {  	[smem:$0x3FB2] =	sst s9;
	s0 =	simm.s32 @!p0 $0x0  }
0x12: {  	s1 =	sld [smem:$0x3F98];
	s0 =	simm.s32 @p0 $0x1  }
0x13: {  	[smem:$0x3FB3] =	sst s0;
	s0 =	simm.s32 @!p1 $0x0  }
0x14: {  	s2 =	sld [smem:$0x3F97];
	s0 =	simm.s32 @p1 $0x1  }
0x15: {  	[smem:$0x3FB4] =	sst s0;
	s0 =	simm.s32 @!p2 $0x0  }
0x16: {  	s3 =	sld [smem:$0x3FDB];
	s0 =	simm.s32 @p2 $0x1  }
0x17: {  	s4 =	simm.s32 $0x1BF5;
	[smem:$0x3FB6] =	sst s0  }
0x18: {  	s0 =	sld [smem:$0x3F99];
	_ =	swait.ge [sflag:s4], $0x0  }
0x19: {  	s7 =	sld [smem:$0x3F9A]  }
0x1a: {  	s8 =	sadd.s32 $0xFFFFE003, lr  }
0x1b: {  	s9 =	sadd.s32 $0xFFFFFEF7, lr;
	s5 =	simm.s32 $0xFFFFFFFF;
	p2 =	slt.u32 s8, $0xFFFFF086  }
0x1c: {  	p1 =	slt.u32 s9, $0xF7A;
	s5 =	simm.s32 @!p2 $0x0  }
0x1d: {  	s5 =	simm.s32 @p1 $0x1;
	p0 =	seq.s32 s7, s2  }
0x1e: {  	s7 =	smul.u32 @!p0 $0xF7A, s2;
	p2 =	seq.s32 @!p0 s5, $0x0  }
0x1f: {  	s9 =	smul.u32 $0xF7A, s1;
	s8 =	simm.s32 @!p0 $0x1BF5;
	p2 =	por !p2, p0  }
0x20: {  	[sflag:s8] =	ssyncset.s32 @!p0 $0xFFFFF086;
	s6 =	sadd.s32 @!p0 s3, s7;
	s7 =	simm.s32 @!p0 $0x108  }
0x21: {  	s3 =	sadd.s32 s3, s9;
	s6 =	sadd.s32 @!p0 $0x88, s6;
	s7 =	simm.s32 @p2 $0x1082  }
0x22: {  	[simem:s7], [sflag:s8] =	dma.local @!p0 [hbm:s6], $0xF7A  }
0x23: {  	s9 =	sor.u32 $0xD0000000, s2;
	s6 =	simm.s32 $0x108;
	_ =	swait.ge @!p0 [sflag:s8], $0x0  }
0x24: {  	s3 =	sadd.s32 $0x88, s3;
	s6 =	simm.s32 @!p1 $0x1082;
	[sflag:s4] =	ssyncset.s32 $0xFFFFF086  }
0x25: {  	[simem:s6], [sflag:s4] =	dma.local [hbm:s3], $0xF7A  }
0x26: {  	[smem:$0x3F9A] =	sst s1;
	(tag) =	ssettag s2;
	_ =	strace s9  }
0x27: {  	s1 =	sld [smem:$0x3FAA]  }
0x28: {  	s2 =	sld [smem:$0x3FAB]  }
0x29: {  	s4 =	sld [smem:$0x3FAD]  }
0x2a: {  	p0 =	seq.s32 s5, $0x0;
	s5 =	sld [smem:$0x3FAE]  }
0x2b: {  	s6 =	sld [smem:$0x3FAF]  }
0x2c: {  	s7 =	sld [smem:$0x3FB0]  }
0x2d: {  	s3 =	simm.s32 $0x108;
	s8 =	sld [smem:$0x3FB1]  }
0x2e: {  	s3 =	simm.s32 @!p0 $0x1082;
	s9 =	sld [smem:$0x3FB2]  }
0x2f: {  	lr =	sadd.s32 s0, s3;
	s0 =	sld [smem:$0x3FA9]  }
0x30: {  	s3 =	sld [smem:$0x3FAC]  }
0x31: {  	[smem:$0x3FB5] =	sst s10  }
0x32: {  	s10 =	sld [smem:$0x3FB3];
	_ =	sdelay $0x3  }
0x33: {  	p0 =	seq.s32 s10, $0x1;
	s10 =	sld [smem:$0x3FB5];
	_ =	sdelay $0x3  }
0x34: {  	[smem:$0x3FB5] =	sst s10  }
0x35: {  	s10 =	sld [smem:$0x3FB4];
	_ =	sdelay $0x3  }
0x36: {  	p1 =	seq.s32 s10, $0x1;
	s10 =	sld [smem:$0x3FB5];
	_ =	sdelay $0x3  }
0x37: {  	[smem:$0x3FB5] =	sst s10  }
0x38: {  	s10 =	sld [smem:$0x3FB6]  }
0x39: {  	_ = 	snop;
	(pc) =	sbr.ind lr, $3  }
0x3a: {  	_ = 	snop  }
0x3b: {  	_ = 	snop  }
0x3c: {  	p2 =	seq.s32 s10, $0x1;
	s10 =	sld [smem:$0x3FB5]  }
0x3d: {  	_ =	shalt  }
0x3e: {  	_ =	shalt  }
0x3f: {  	_ =	shalt  }
0x40: {  	_ =	shalt  }
0x41: {  	_ =	shalt  }
0x42: {  	_ =	shalt  }
0x43: {  	_ =	shalt  }
0x44: {  	_ =	shalt  }
0x45: {  	_ =	shalt  }
0x46: {  	_ =	shalt  }
0x47: {  	_ =	shalt  }
0x48: {  	_ =	shalt  }
0x49: {  	_ =	shalt  }
0x4a: {  	_ =	shalt  }
0x4b: {  	_ =	shalt  }
0x4c: {  	_ =	shalt  }
0x4d: {  	_ =	shalt  }
0x4e: {  	_ =	shalt  }
0x4f: {  	_ =	shalt  }
0x50: {  	_ =	shalt  }
0x51: {  	_ =	shalt  }
0x52: {  	_ =	shalt  }
0x53: {  	_ =	shalt  }
0x54: {  	_ =	shalt  }
0x55: {  	_ =	shalt  }
0x56: {  	_ =	shalt  }
0x57: {  	_ =	shalt  }
0x58: {  	_ =	shalt  }
0x59: {  	_ =	shalt  }
0x5a: {  	_ =	shalt  }
0x5b: {  	_ =	shalt  }
0x5c: {  	_ =	shalt  }
0x5d: {  	_ =	shalt  }
0x5e: {  	_ =	shalt  }
0x5f: {  	_ =	shalt  }
0x60: {  	_ =	shalt  }
0x61: {  	_ =	shalt  }
0x62: {  	_ =	shalt  }
0x63: {  	_ =	shalt  }
0x64: {  	_ =	shalt  }
0x65: {  	_ =	shalt  }
0x66: {  	_ =	shalt  }
0x67: {  	_ =	shalt  }
0x68: {  	_ =	shalt  }
0x69: {  	_ =	shalt  }
0x6a: {  	_ =	shalt  }
0x6b: {  	_ =	shalt  }
0x6c: {  	_ =	shalt  }
0x6d: {  	_ =	shalt  }
0x6e: {  	_ =	shalt  }
0x6f: {  	_ =	shalt  }
0x70: {  	_ =	shalt  }
0x71: {  	_ =	shalt  }
0x72: {  	_ =	shalt  }
0x73: {  	_ =	shalt  }
0x74: {  	_ =	shalt  }
0x75: {  	_ =	shalt  }
0x76: {  	_ =	shalt  }
0x77: {  	_ =	shalt  }
0x78: {  	_ =	shalt  }
0x79: {  	_ =	shalt  }
0x7a: {  	_ =	shalt  }
0x7b: {  	_ =	shalt  }
0x7c: {  	_ =	shalt  }
0x7d: {  	_ =	shalt  }
0x7e: {  	_ =	shalt  }
0x7f: {  	_ =	shalt  }
0x80: {  	_ =	shalt  }
0x81: {  	_ =	shalt  }
0x82: {  	_ =	shalt  }
0x83: {  	_ =	shalt  }
0x84: {  	_ =	shalt  }
0x85: {  	_ =	shalt  }
0x86: {  	_ =	shalt  }
0x87: {  	_ =	shalt  }
.Lfunc_end0:
.L_simem_size_0:
called_computation.1_lowered:
.L_overlay_start_0:
0x88: {  	s2 =	sld [smem:$0x3FD9]  }
0x89: {  	s3 =	sld [smem:$0x3FFE];
	_ =	sdelay $0x1  }
0x8a: {  	s1 =	srdreg.scid  }
0x8b: {  	s0 =	sand.u32 $0x1, s1  }
0x8c: {  	s16 =	sshll.u32 s0, $0xA;
	s2 =	sadd.s32 s3, s2  }
0x8d: {  	s2 =	sadd.s32 s2, s16  }
0x8e: {  	[smem:$0x3FC1] =	sst s2  }
0x8f: {  	_ = 	snop  }
0x90: {  	(tm) =	ssettm $0x1  }
0x91: {  	s17 =	sld [smem:$0x3FFB];
	_ =	sdelay $0x3  }
0x92: {  	_ =	strace s17  }
0x93: {  	s2 =	sld [smem:$0x3FFC];
	_ =	sdelay $0x3  }
0x94: {  	_ =	strace s2  }
0x95: {  	s2 =	sld [smem:$0x3FFD];
	_ =	sdelay $0x3  }
0x96: {  	_ =	strace s2  }
0x97: {  	_ =	strace $0x8FFFFFFF  }
0x98: {  	s18 =	sld [smem:$0x3FDB];
	_ =	sdelay $0x1  }
0x99: {  	s19 =	simm.s32 $_scs_section_size  }
0x9a: {  	s4 =	simm.s32 $_size__tile_overlayer_lowered;
	s5 =	simm.s32 $_tile_overlayer_lowered  }
0x9b: {  	s22 =	simm.s32 $0x1BFF;
	s21 =	sshll.u32 s5, $0x1;
	s2 =	sadd.s32 s19, s18  }
0x9c: {  	s6 =	simm.s32 $0x0;
	s20 =	sshll.u32 s4, $0x1;
	s4 =	sadd.s32 s21, s2  }
0x9d: {  	[timem:s6], [sflag:s22] =	dma.local [hbm:s4], s20  }
0x9e: {  	_ =	swait.ge [sflag:s22], s20  }
0x9f: {  	s3 =	ssub.s32 $0x0, s20;
	[sflag:s22] =	ssyncset.done $0x0  }
0xa0: {  	[sflag:s22] =	ssyncadd.s32 s3;
	_ =	sdelay $0x1  }
0xa1: {  	s23 =	simm.s32 $0x1B8B  }
0xa2: {  	_ =	swait.ge [sflag:s23], $0x1  }
0xa3: {  	[sflag:s23] =	ssyncset.done $0x0  }
0xa4: {  	s25 =	simm.s32 $0x1B8E;
	s24 =	sld [smem:$0x3FFE];
	[sflag:s23] =	ssyncadd.s32 $0xFFFFFFFF  }
0xa5: {  	s26 =	simm.s32 $execute0_lowered;
	[smem:$0x3FD2] =	sst s25  }
0xa6: {  	s4 =	sshll.u32 s26, $0x1;
	_ =	strace $0x80000049;
	[dreg:$0x1] =	wrdreg $0xFFFFFFFF  }
0xa7: {  	s28 =	simm.s32 $_size_execute0_lowered;
	s2 =	sadd.s32 s2, s4;
	[dreg:$0x0] =	wrdreg $0x0  }
0xa8: {  	s4 =	sshll.u32 s28, $0x1;
	[dreg:$0x2] =	wrdreg s2  }
0xa9: {  	[dreg:$0x3] =	wrdreg s4  }
0xaa: {  	[dreg:$0x4] =	wrdreg $0xC0  }
0xab: {  	_ =	task [dreg:s6], $0x5FFFF  }
0xac: {  	[dreg:$0x1] =	wrdreg $0xFFFFFFFF  }
0xad: {  	[dreg:$0x0] =	wrdreg $0x60  }
0xae: {  	[dreg:$0x2] =	wrdreg s24  }
0xaf: {  	[dreg:$0x3] =	wrdreg $0x0  }
0xb0: {  	[dreg:$0x4] =	wrdreg $0x9  }
0xb1: {  	_ =	task.clear_ibuf [dreg:s6], $0x5FFFF;
	_ =	strace $0x90000049  }
0xb2: {  	s29 =	simm.s32 $0x9;
	_ =	strace $0x8000004B  }
0xb3: {  	_ =	swait.ge [sflag:s29], $0x1  }
0xb4: {  	[sflag:s29] =	ssyncadd.s32 $0xFFFFFFFF  }
0xb5: {  	_ =	strace $0x9000004B  }
0xb6: {  	_ =	sfence  }
0xb7: {  	s30 =	sld [smem:$0x0];
	_ =	sdelay $0x2  }
0xb8: {  	s31 =	sshll.u32 s1, $0xD;
	s1 =	sshrl.u32 s1, $0x2  }
0xb9: {  	s3 =	sand.u32 $0x4000, s31;
	s1 =	sadd.s32 s1, s30  }
0xba: {  	s0 =	sor.u32 s3, s0;
	s1 =	sshll.u32 s1, $0x11  }
0xbb: {  	s0 =	sor.u32 s1, s0  }
0xbc: {  	s0 =	sadd.s32 $0x8F2B, s0  }
0xbd: {  	[sflag:s0] =	ssyncadd.remote.s32 $0x1  }
0xbe: {  	_ =	sfence.sel $0xFFFF  }
0xbf: {  	[dreg:$0x0] =	wrdreg $0xFFFFFFFF;
	(pc) =	sbr.abs _section_cstart, $3  }
0xc0: {  	[dreg:$0x1] =	wrdreg $0xFFFFFFFF  }
0xc1: {  	_ =	task.clear_ibuf [dreg:s6], $0x2FFFF;
	_ =	strace $0x9FFFFFFF  }
0xc2: {  	(tm) =	ssettm $0x7FFFFFFF  }
0xc3: {  	_ =	shalt  }
tec
execute0_lowered:
.L_overlay_start_1:
0x0: {  	(tag) =	ssettag $0x1  }
0x1: {  	s8 =	rddreg [dreg:$0x0]  }
0x2: {  	s2 =	rddreg [dreg:$0x1];
	s3 =	simm.s32 $0x0  }
0x3: {  	s0 =	stileid.u32;
	s7 =	srdreg.scid;
	s18 =	simm.s32 $0x18100  }
0x4: {  	s19 =	simm.s32 $0x2;
	s20 =	simm.s32 $0x14000;
	s21 =	simm.s32 $0x14080  }
0x5: {  	s22 =	simm.s32 $0x80;
	s23 =	simm.s32 $0x14100;
	s24 =	simm.s32 $0x1  }
0x6: {  	s28 =	simm.s32 $0x0;
	[smem:$0x7FF] =	sst s3;
	s6 =	smul.u32 $0xA20, s0  }
0x7: {  	s4 =	sadd.s32 $0xC000, s8;
	s5 =	sadd.s32 $0x33200, s8;
	s9 =	smul.u32 $0x50000, s0  }
0x8: {  	s10 =	sand.u32 $0x1, s7;
	s7 =	sadd.s32 $0x67200, s8;
	s14 =	smul.u32 $0x2800, s0  }
0x9: {  	s25 =	sshll.u32 s0, $0x6;
	_ =	strace $0x8000004A;
	s11 =	ssub.s32 $0x2, s10  }
0xa: {  	p0 =	seq.s32 s10, $0x1;
	s25 =	sor.u32 $0x1C02, s25;
	s17 =	sadd.s32 s6, s8  }
.Ltmp0:
0xb: {  	s6 =	sadd.s32 $0x5A400, s8;
	s9 =	sshrl.u32 s9, $0x2;
	(pc) =	sbr.rel .LBB2_1-.Ltmp0, $4  }
0xc: {  	s8 =	sadd.s32 $0x8F200, s8;
	s12 =	sshrl.u32 s11, $0x1;
	s9 =	sadd.s32 s9, s2  }
0xd: {  	s15 =	ssub.s32 s11, s12;
	s16 =	sadd.s32 $0x1E00, s17;
	s17 =	sadd.s32 $0x5D000, s17  }
0xe: {  	s10 =	sadd.s32 $0x4000, s9;
	s11 =	sadd.s32 $0x8000, s9;
	s12 =	sadd.s32 $0xC000, s9  }
0xf: {  	s13 =	sadd.s32 $0x10000, s9;
	s15 =	smax.u32 s15, $0x1;
	s26 =	sshrl.u32 s9, $0x3  }
.LBB2_7:
0x10: {  	s0 =	sadd.s32 s29, s17;
	[sflag:s19] =	ssyncadd.s32 $0xFFFFC000  }
0x11: {  	[tilespmem:s20], [sflag:$0x2] =	stream.linear.gather [hbm4b:s0+s3], $0x80, $0x38;
	[tilespmem:$0x1C100] =	vst v63  }
0x12: {  	_ =	swait.ge [sflag:s19], $0x80  }
0x13: {  	[sflag:s19] =	ssyncset.done $0x0  }
0x14: {  	s31 =	sadd.s32 s29, s16;
	[sflag:s19] =	ssyncadd.s32 $0xFFFFFF80  }
0x15: {  	[tilespmem:s21], [sflag:$0x2] =	stream.linear.gather [hbm4b:s31+s3], $0x80, $0x38;
	[tilespmem:$0x1C100] =	vst v63  }
0x16: {  	_ =	swait.ge [sflag:s19], $0x80  }
0x17: {  	[sflag:s19] =	ssyncset.done $0x0  }
0x18: {  	[sflag:s19] =	ssyncadd.s32 $0xFFFFFF80  }
0x19: {  	[tilespmem:s23], [sflag:$0x1] =	stream.indirect.gather [hbm4b:s5+s22], $0x80, s20, s22, $0xb8;
	[tilespmem:$0x1C100] =	vst v63  }
0x1a: {  	_ =	swait.ge [sflag:s24], $0x4000  }
0x1b: {  	[sflag:s24] =	ssyncset.done $0x0  }
0x1c: {  	[sflag:s24] =	ssyncadd.s32 $0xFFFFC000  }
0x1d: {  	[spmem:s2] =	stream.indirect.scatter.add.f32 [tilespmem:s23], [sflag:$0x2], $0x80, s21, s22, $0xb8;
	[tilespmem:$0x1C100] =	vst v63  }
0x1e: {  	_ =	swait.ge [sflag:s19], $0x4000  }
0x1f: {  	[sflag:s19] =	ssyncset.done $0x0  }
0x20: {  	s29 =	smov.u32 s8;
	[sflag:s19] =	ssyncadd.s32 $0xFFFFC000  }
.LBB2_8:
0x21: {  	s28 =	sadd.s32 $0x1, s28  }
0x22: {  	p1 =	sne.s32 s28, s15  }
.Ltmp1:
0x23: {  	s0 =	sadd.s32 s29, s14;
	[bflag:$0x0] =	sbarrier.arrive $0xFFFF;
	(pc) =	sbr.rel @!p1 .LBB2_9-.Ltmp1, $4  }
0x24: {  	[hbm:s0], [sflag:s25] =	dma.local [spmem:s26], $0x2800  }
0x25: {  	_ =	swait.ge [sflag:s19], $0x2800  }
0x26: {  	[sflag:s19] =	ssyncset.done $0x0  }
0x27: {  	[sflag:s19] =	ssyncadd.s32 $0xFFFFD800  }
.LBB2_1:
0x28: {  	[tilespmem:s18], [sflag:$0x2] =	stream.linear.gather [hbm4b:s6+s3], $0x4000, $0x38;
	[tilespmem:$0x1C100] =	vst v63  }
0x29: {  	_ =	swait.ge [sflag:s19], $0x4000  }
0x2a: {  	[sflag:s19] =	ssyncset.done $0x0  }
0x2b: {  	[sflag:s19] =	ssyncadd.s32 $0xFFFFC000  }
0x2c: {  	[spmem:s9] =	stream.linear.scatter [tilespmem:s18], [sflag:$0x2], $0x4000, $0x38;
	[tilespmem:$0x1C100] =	vst v63  }
0x2d: {  	_ =	swait.ge [sflag:s19], $0x4000  }
0x2e: {  	[sflag:s19] =	ssyncset.done $0x0  }
0x2f: {  	[sflag:s19] =	ssyncadd.s32 $0xFFFFC000  }
0x30: {  	[spmem:s10] =	stream.linear.scatter [tilespmem:s18], [sflag:$0x2], $0x4000, $0x38;
	[tilespmem:$0x1C100] =	vst v63  }
0x31: {  	_ =	swait.ge [sflag:s19], $0x4000  }
0x32: {  	[sflag:s19] =	ssyncset.done $0x0  }
0x33: {  	[sflag:s19] =	ssyncadd.s32 $0xFFFFC000  }
0x34: {  	[spmem:s11] =	stream.linear.scatter [tilespmem:s18], [sflag:$0x2], $0x4000, $0x38;
	[tilespmem:$0x1C100] =	vst v63  }
0x35: {  	_ =	swait.ge [sflag:s19], $0x4000  }
0x36: {  	[sflag:s19] =	ssyncset.done $0x0  }
0x37: {  	[sflag:s19] =	ssyncadd.s32 $0xFFFFC000  }
0x38: {  	[spmem:s12] =	stream.linear.scatter [tilespmem:s18], [sflag:$0x2], $0x4000, $0x38;
	[tilespmem:$0x1C100] =	vst v63  }
0x39: {  	_ =	swait.ge [sflag:s19], $0x4000  }
0x3a: {  	[sflag:s19] =	ssyncset.done $0x0  }
0x3b: {  	[sflag:s19] =	ssyncadd.s32 $0xFFFFC000  }
0x3c: {  	[spmem:s13] =	stream.linear.scatter [tilespmem:s18], [sflag:$0x2], $0x4000, $0x38;
	[tilespmem:$0x1C100] =	vst v63  }
.Ltmp2:
0x3d: {  	_ =	swait.ge [sflag:s19], $0x4000;
	(pc) =	sbr.rel @!p0 .LBB2_2-.Ltmp2, $3  }
0x3e: {  	[sflag:s19] =	ssyncset.done $0x0  }
0x3f: {  	[sflag:s19] =	ssyncadd.s32 $0xFFFFC000  }
0x40: {  	[bflag:$0x0] =	sbarrier.arrive $0xFFFF;
	_ =	sdelay $0x1  }
0x41: {  	s0 =	sadd.s32 $0x0, s17  }
0x42: {  	[tilespmem:s20], [sflag:$0x2] =	stream.linear.gather [hbm4b:s0+s3], $0x80, $0x38;
	[tilespmem:$0x1C100] =	vst v63  }
0x43: {  	_ =	swait.ge [sflag:s19], $0x80  }
0x44: {  	[sflag:s19] =	ssyncset.done $0x0  }
0x45: {  	s31 =	sadd.s32 $0x0, s16;
	[sflag:s19] =	ssyncadd.s32 $0xFFFFFF80  }
0x46: {  	[tilespmem:s21], [sflag:$0x2] =	stream.linear.gather [hbm4b:s31+s3], $0x80, $0x38;
	[tilespmem:$0x1C100] =	vst v63  }
0x47: {  	_ =	swait.ge [sflag:s19], $0x80  }
0x48: {  	[sflag:s19] =	ssyncset.done $0x0  }
0x49: {  	[sflag:s19] =	ssyncadd.s32 $0xFFFFFF80  }
0x4a: {  	[tilespmem:s23], [sflag:$0x1] =	stream.indirect.gather [hbm4b:s5+s22], $0x80, s20, s22, $0xb8;
	[tilespmem:$0x1C100] =	vst v63  }
0x4b: {  	_ =	swait.ge [sflag:s24], $0x4000  }
0x4c: {  	[sflag:s24] =	ssyncset.done $0x0  }
0x4d: {  	[sflag:s24] =	ssyncadd.s32 $0xFFFFC000  }
0x4e: {  	[spmem:s2] =	stream.indirect.scatter.add.f32 [tilespmem:s23], [sflag:$0x2], $0x80, s21, s22, $0xb8;
	[tilespmem:$0x1C100] =	vst v63  }
0x4f: {  	_ =	swait.ge [sflag:s19], $0x4000  }
0x50: {  	s29 =	simm.s32 $0x10;
	s30 =	simm.s32 $0x20;
	[sflag:s19] =	ssyncset.done $0x0  }
.LBB2_6:
0x51: {  	s0 =	sadd.s32 s29, s17  }
0x52: {  	[sflag:s19] =	ssyncadd.s32 $0xFFFFC000;
	s1 =	smov.u32 s30;
	s31 =	sadd.s32 $0x10, s30  }
0x53: {  	[tilespmem:s20], [sflag:$0x2] =	stream.linear.gather [hbm4b:s0+s3], $0x80, $0x38;
	[tilespmem:$0x1C100] =	vst v63  }
0x54: {  	p1 =	sne.s32 s30, $0xA10;
	_ =	swait.ge [sflag:s19], $0x80  }
0x55: {  	[sflag:s19] =	ssyncset.done $0x0  }
0x56: {  	s0 =	sadd.s32 s29, s16;
	s29 =	smov.u32 s1;
	[sflag:s19] =	ssyncadd.s32 $0xFFFFFF80  }
0x57: {  	[tilespmem:s21], [sflag:$0x2] =	stream.linear.gather [hbm4b:s0+s3], $0x80, $0x38;
	[tilespmem:$0x1C100] =	vst v63  }
0x58: {  	_ =	swait.ge [sflag:s19], $0x80  }
0x59: {  	[sflag:s19] =	ssyncset.done $0x0  }
0x5a: {  	[sflag:s19] =	ssyncadd.s32 $0xFFFFFF80  }
0x5b: {  	[tilespmem:s23], [sflag:$0x1] =	stream.indirect.gather [hbm4b:s5+s22], $0x80, s20, s22, $0xb8;
	[tilespmem:$0x1C100] =	vst v63  }
0x5c: {  	_ =	swait.ge [sflag:s24], $0x4000  }
.Ltmp3:
0x5d: {  	[sflag:s24] =	ssyncset.done $0x0;
	(pc) =	sbr.rel @p1 .LBB2_6-.Ltmp3, $4  }
0x5e: {  	[sflag:s24] =	ssyncadd.s32 $0xFFFFC000  }
0x5f: {  	[spmem:s2] =	stream.indirect.scatter.add.f32 [tilespmem:s23], [sflag:$0x2], $0x80, s21, s22, $0xb8;
	[tilespmem:$0x1C100] =	vst v63  }
0x60: {  	_ =	swait.ge [sflag:s19], $0x4000  }
0x61: {  	s30 =	smov.u32 s31;
	[sflag:s19] =	ssyncset.done $0x0  }
.Ltmp4:
0x62: {  	_ = 	snop;
	(pc) =	sbr.rel .LBB2_7-.Ltmp4, $1  }
0x63: {  	_ =	sdelay $0x3  }
.LBB2_2:
0x64: {  	s29 =	sadd.s32 $0x0, s17  }
0x65: {  	[tilespmem:s20], [sflag:$0x2] =	stream.linear.gather [hbm4b:s29+s3], $0x80, $0x38;
	[tilespmem:$0x1C100] =	vst v63  }
0x66: {  	_ =	swait.ge [sflag:s19], $0x80  }
0x67: {  	[sflag:s19] =	ssyncset.done $0x0  }
0x68: {  	s29 =	sadd.s32 $0x0, s16;
	[sflag:s19] =	ssyncadd.s32 $0xFFFFFF80  }
0x69: {  	[tilespmem:s21], [sflag:$0x2] =	stream.linear.gather [hbm4b:s29+s3], $0x80, $0x38;
	[tilespmem:$0x1C100] =	vst v63  }
0x6a: {  	_ =	swait.ge [sflag:s19], $0x80  }
0x6b: {  	[sflag:s19] =	ssyncset.done $0x0  }
0x6c: {  	[sflag:s19] =	ssyncadd.s32 $0xFFFFFF80  }
0x6d: {  	[tilespmem:s23], [sflag:$0x1] =	stream.indirect.gather [hbm4b:s4+s22], $0x80, s20, s22, $0xb8;
	[tilespmem:$0x1C100] =	vst v63  }
0x6e: {  	_ =	swait.ge [sflag:s24], $0x4000  }
0x6f: {  	[sflag:s24] =	ssyncset.done $0x0  }
0x70: {  	[sflag:s24] =	ssyncadd.s32 $0xFFFFC000  }
0x71: {  	[spmem:s2] =	stream.indirect.scatter.add.f32 [tilespmem:s23], [sflag:$0x2], $0x80, s21, s22, $0xb8;
	[tilespmem:$0x1C100] =	vst v63  }
0x72: {  	_ =	swait.ge [sflag:s19], $0x4000  }
0x73: {  	s30 =	simm.s32 $0x20;
	s29 =	simm.s32 $0x10;
	[sflag:s19] =	ssyncset.done $0x0  }
.LBB2_3:
0x74: {  	s31 =	sadd.s32 s29, s17  }
0x75: {  	[sflag:s19] =	ssyncadd.s32 $0xFFFFC000;
	s0 =	smov.u32 s30;
	s1 =	sadd.s32 $0x10, s30  }
0x76: {  	[tilespmem:s20], [sflag:$0x2] =	stream.linear.gather [hbm4b:s31+s3], $0x80, $0x38;
	[tilespmem:$0x1C100] =	vst v63  }
0x77: {  	p1 =	seq.s32 s30, $0xA10;
	_ =	swait.ge [sflag:s19], $0x80  }
0x78: {  	[sflag:s19] =	ssyncset.done $0x0  }
0x79: {  	s30 =	sadd.s32 s29, s16;
	s29 =	smov.u32 s0;
	[sflag:s19] =	ssyncadd.s32 $0xFFFFFF80  }
0x7a: {  	[tilespmem:s21], [sflag:$0x2] =	stream.linear.gather [hbm4b:s30+s3], $0x80, $0x38;
	[tilespmem:$0x1C100] =	vst v63  }
0x7b: {  	_ =	swait.ge [sflag:s19], $0x80  }
0x7c: {  	[sflag:s19] =	ssyncset.done $0x0  }
0x7d: {  	[sflag:s19] =	ssyncadd.s32 $0xFFFFFF80  }
0x7e: {  	[tilespmem:s23], [sflag:$0x1] =	stream.indirect.gather [hbm4b:s4+s22], $0x80, s20, s22, $0xb8;
	[tilespmem:$0x1C100] =	vst v63  }
0x7f: {  	_ =	swait.ge [sflag:s24], $0x4000  }
.Ltmp5:
0x80: {  	[sflag:s24] =	ssyncset.done $0x0;
	(pc) =	sbr.rel @!p1 .LBB2_3-.Ltmp5, $4  }
0x81: {  	[sflag:s24] =	ssyncadd.s32 $0xFFFFC000  }
0x82: {  	[spmem:s2] =	stream.indirect.scatter.add.f32 [tilespmem:s23], [sflag:$0x2], $0x80, s21, s22, $0xb8;
	[tilespmem:$0x1C100] =	vst v63  }
0x83: {  	_ =	swait.ge [sflag:s19], $0x4000  }
0x84: {  	s30 =	smov.u32 s1;
	[sflag:s19] =	ssyncset.done $0x0  }
0x85: {  	s0 =	sadd.s32 s29, s17;
	[sflag:s19] =	ssyncadd.s32 $0xFFFFC000  }
0x86: {  	[tilespmem:s20], [sflag:$0x2] =	stream.linear.gather [hbm4b:s0+s3], $0x80, $0x38;
	[tilespmem:$0x1C100] =	vst v63  }
0x87: {  	_ =	swait.ge [sflag:s19], $0x80  }
0x88: {  	[sflag:s19] =	ssyncset.done $0x0  }
0x89: {  	s31 =	sadd.s32 s29, s16;
	[sflag:s19] =	ssyncadd.s32 $0xFFFFFF80  }
0x8a: {  	[tilespmem:s21], [sflag:$0x2] =	stream.linear.gather [hbm4b:s31+s3], $0x80, $0x38;
	[tilespmem:$0x1C100] =	vst v63  }
0x8b: {  	_ =	swait.ge [sflag:s19], $0x80  }
0x8c: {  	[sflag:s19] =	ssyncset.done $0x0  }
0x8d: {  	[sflag:s19] =	ssyncadd.s32 $0xFFFFFF80  }
0x8e: {  	[tilespmem:s23], [sflag:$0x1] =	stream.indirect.gather [hbm4b:s4+s22], $0x80, s20, s22, $0xb8;
	[tilespmem:$0x1C100] =	vst v63  }
0x8f: {  	_ =	swait.ge [sflag:s24], $0x4000  }
0x90: {  	[sflag:s24] =	ssyncset.done $0x0  }
.Ltmp6:
0x91: {  	[sflag:s24] =	ssyncadd.s32 $0xFFFFC000;
	(pc) =	sbr.rel .LBB2_8-.Ltmp6, $4  }
0x92: {  	[spmem:s2] =	stream.indirect.scatter.add.f32 [tilespmem:s23], [sflag:$0x2], $0x80, s21, s22, $0xb8;
	[tilespmem:$0x1C100] =	vst v63  }
0x93: {  	_ =	swait.ge [sflag:s19], $0x4000  }
0x94: {  	[sflag:s19] =	ssyncset.done $0x0  }
0x95: {  	s29 =	smov.u32 s7;
	[sflag:s19] =	ssyncadd.s32 $0xFFFFC000  }
.LBB2_9:
0x96: {  	_ =	sfence.sel $0x180000  }
0x97: {  	[bflag:$0x0] =	sbarrier.arrive $0xFFFF  }
0x98: {  	_ =	strace $0x9000004A  }
0x99: {  	s0 =	stileid.u32;
	[bflag:$0x2] =	sbarrier.arrive $0xFFFF  }
0x9a: {  	p0 =	sne.s32 s0, $0x0;
	s0 =	rddreg [dreg:$0x2]  }
0x9b: {  	s0 =	sadd.s32 @!p0 $0x100000, s0  }
0x9c: {  	[sflag:s0] =	ssyncadd.tile.s32 @!p0 $0x1;
	_ =	shalt  }
.Lfunc_end2:
_tile_overlayer_lowered:
.L_overlay_start_2:
0x9d: {  	(tag) =	ssettag $0x2  }
0x9e: {  	s0 =	rddreg [dreg:$0x0];
	s2 =	stileid.u32  }
0x9f: {  	s1 =	rddreg [dreg:$0x1];
	p0 =	sne.s32 s2, $0x0  }
0xa0: {  	s3 =	rddreg [dreg:$0x2];
	[bflag:$0x3] =	sbarrier.arrive $0xFFFF;
	s2 =	simm.s32 @!p0 $0x1C02  }
0xa1: {  	[timem:s3], [sflag:s2] =	dma.local @!p0 [hbm:s0], s1  }
0xa2: {  	s0 =	simm.s32 @!p0 $0x2  }
0xa3: {  	_ =	swait.ge @!p0 [sflag:s0], s1  }
0xa4: {  	s1 =	ssub.s32 @!p0 $0x0, s1;
	[sflag:s0] =	ssyncset.done @!p0 $0x0  }
0xa5: {  	[sflag:s0] =	ssyncadd.s32 @!p0 s1  }
0xa6: {  	[bflag:$0x3] =	sbarrier.arrive $0xFFFF  }
0xa7: {  	_ =	shalt  }

// kernel: kernel.14.cloned.1.call-start
scs
__scs_entry_jumppad:
0x0: {  	(pc) =	sbr.rel $0x88, $3  }
0x1: {  	(tag) =	ssettag $0x0;
	lr =	simm.s32 $0x1  }
0x2: {  	[smem:$0x3F9A] =	sst lr;
	_ =	strace $0xD0000000  }
0x3: {  	_ = 	snop  }
0x4: {  	_ = 	snop  }
0x5: {  	_ = 	snop  }
0x6: {  	_ = 	snop  }
0x7: {  	_ = 	snop  }
__scs_overlays_trampoline_lowered:
0x8: {  	[smem:$0x3FA9] =	sst s0  }
0x9: {  	[smem:$0x3FAA] =	sst s1  }
0xa: {  	[smem:$0x3FAB] =	sst s2  }
0xb: {  	[smem:$0x3FAC] =	sst s3  }
0xc: {  	[smem:$0x3FAD] =	sst s4  }
0xd: {  	[smem:$0x3FAE] =	sst s5  }
0xe: {  	[smem:$0x3FAF] =	sst s6  }
0xf: {  	[smem:$0x3FB0] =	sst s7  }
0x10: {  	[smem:$0x3FB1] =	sst s8  }
0x11: {  	[smem:$0x3FB2] =	sst s9;
	s0 =	simm.s32 @!p0 $0x0  }
0x12: {  	s1 =	sld [smem:$0x3F98];
	s0 =	simm.s32 @p0 $0x1  }
0x13: {  	[smem:$0x3FB3] =	sst s0;
	s0 =	simm.s32 @!p1 $0x0  }
0x14: {  	s2 =	sld [smem:$0x3F97];
	s0 =	simm.s32 @p1 $0x1  }
0x15: {  	[smem:$0x3FB4] =	sst s0;
	s0 =	simm.s32 @!p2 $0x0  }
0x16: {  	s3 =	sld [smem:$0x3FDB];
	s0 =	simm.s32 @p2 $0x1  }
0x17: {  	s4 =	simm.s32 $0x1BF5;
	[smem:$0x3FB6] =	sst s0  }
0x18: {  	s0 =	sld [smem:$0x3F99];
	_ =	swait.ge [sflag:s4], $0x0  }
0x19: {  	s7 =	sld [smem:$0x3F9A]  }
0x1a: {  	s8 =	sadd.s32 $0xFFFFE003, lr  }
0x1b: {  	s9 =	sadd.s32 $0xFFFFFEF7, lr;
	s5 =	simm.s32 $0xFFFFFFFF;
	p2 =	slt.u32 s8, $0xFFFFF086  }
0x1c: {  	p1 =	slt.u32 s9, $0xF7A;
	s5 =	simm.s32 @!p2 $0x0  }
0x1d: {  	s5 =	simm.s32 @p1 $0x1;
	p0 =	seq.s32 s7, s2  }
0x1e: {  	s7 =	smul.u32 @!p0 $0xF7A, s2;
	p2 =	seq.s32 @!p0 s5, $0x0  }
0x1f: {  	s9 =	smul.u32 $0xF7A, s1;
	s8 =	simm.s32 @!p0 $0x1BF5;
	p2 =	por !p2, p0  }
0x20: {  	[sflag:s8] =	ssyncset.s32 @!p0 $0xFFFFF086;
	s6 =	sadd.s32 @!p0 s3, s7;
	s7 =	simm.s32 @!p0 $0x108  }
0x21: {  	s3 =	sadd.s32 s3, s9;
	s6 =	sadd.s32 @!p0 $0x88, s6;
	s7 =	simm.s32 @p2 $0x1082  }
0x22: {  	[simem:s7], [sflag:s8] =	dma.local @!p0 [hbm:s6], $0xF7A  }
0x23: {  	s9 =	sor.u32 $0xD0000000, s2;
	s6 =	simm.s32 $0x108;
	_ =	swait.ge @!p0 [sflag:s8], $0x0  }
0x24: {  	s3 =	sadd.s32 $0x88, s3;
	s6 =	simm.s32 @!p1 $0x1082;
	[sflag:s4] =	ssyncset.s32 $0xFFFFF086  }
0x25: {  	[simem:s6], [sflag:s4] =	dma.local [hbm:s3], $0xF7A  }
0x26: {  	[smem:$0x3F9A] =	sst s1;
	(tag) =	ssettag s2;
	_ =	strace s9  }
0x27: {  	s1 =	sld [smem:$0x3FAA]  }
0x28: {  	s2 =	sld [smem:$0x3FAB]  }
0x29: {  	s4 =	sld [smem:$0x3FAD]  }
0x2a: {  	p0 =	seq.s32 s5, $0x0;
	s5 =	sld [smem:$0x3FAE]  }
0x2b: {  	s6 =	sld [smem:$0x3FAF]  }
0x2c: {  	s7 =	sld [smem:$0x3FB0]  }
0x2d: {  	s3 =	simm.s32 $0x108;
	s8 =	sld [smem:$0x3FB1]  }
0x2e: {  	s3 =	simm.s32 @!p0 $0x1082;
	s9 =	sld [smem:$0x3FB2]  }
0x2f: {  	lr =	sadd.s32 s0, s3;
	s0 =	sld [smem:$0x3FA9]  }
0x30: {  	s3 =	sld [smem:$0x3FAC]  }
0x31: {  	[smem:$0x3FB5] =	sst s10  }
0x32: {  	s10 =	sld [smem:$0x3FB3];
	_ =	sdelay $0x3  }
0x33: {  	p0 =	seq.s32 s10, $0x1;
	s10 =	sld [smem:$0x3FB5];
	_ =	sdelay $0x3  }
0x34: {  	[smem:$0x3FB5] =	sst s10  }
0x35: {  	s10 =	sld [smem:$0x3FB4];
	_ =	sdelay $0x3  }
0x36: {  	p1 =	seq.s32 s10, $0x1;
	s10 =	sld [smem:$0x3FB5];
	_ =	sdelay $0x3  }
0x37: {  	[smem:$0x3FB5] =	sst s10  }
0x38: {  	s10 =	sld [smem:$0x3FB6]  }
0x39: {  	_ = 	snop;
	(pc) =	sbr.ind lr, $3  }
0x3a: {  	_ = 	snop  }
0x3b: {  	_ = 	snop  }
0x3c: {  	p2 =	seq.s32 s10, $0x1;
	s10 =	sld [smem:$0x3FB5]  }
0x3d: {  	_ =	shalt  }
0x3e: {  	_ =	shalt  }
0x3f: {  	_ =	shalt  }
0x40: {  	_ =	shalt  }
0x41: {  	_ =	shalt  }
0x42: {  	_ =	shalt  }
0x43: {  	_ =	shalt  }
0x44: {  	_ =	shalt  }
0x45: {  	_ =	shalt  }
0x46: {  	_ =	shalt  }
0x47: {  	_ =	shalt  }
0x48: {  	_ =	shalt  }
0x49: {  	_ =	shalt  }
0x4a: {  	_ =	shalt  }
0x4b: {  	_ =	shalt  }
0x4c: {  	_ =	shalt  }
0x4d: {  	_ =	shalt  }
0x4e: {  	_ =	shalt  }
0x4f: {  	_ =	shalt  }
0x50: {  	_ =	shalt  }
0x51: {  	_ =	shalt  }
0x52: {  	_ =	shalt  }
0x53: {  	_ =	shalt  }
0x54: {  	_ =	shalt  }
0x55: {  	_ =	shalt  }
0x56: {  	_ =	shalt  }
0x57: {  	_ =	shalt  }
0x58: {  	_ =	shalt  }
0x59: {  	_ =	shalt  }
0x5a: {  	_ =	shalt  }
0x5b: {  	_ =	shalt  }
0x5c: {  	_ =	shalt  }
0x5d: {  	_ =	shalt  }
0x5e: {  	_ =	shalt  }
0x5f: {  	_ =	shalt  }
0x60: {  	_ =	shalt  }
0x61: {  	_ =	shalt  }
0x62: {  	_ =	shalt  }
0x63: {  	_ =	shalt  }
0x64: {  	_ =	shalt  }
0x65: {  	_ =	shalt  }
0x66: {  	_ =	shalt  }
0x67: {  	_ =	shalt  }
0x68: {  	_ =	shalt  }
0x69: {  	_ =	shalt  }
0x6a: {  	_ =	shalt  }
0x6b: {  	_ =	shalt  }
0x6c: {  	_ =	shalt  }
0x6d: {  	_ =	shalt  }
0x6e: {  	_ =	shalt  }
0x6f: {  	_ =	shalt  }
0x70: {  	_ =	shalt  }
0x71: {  	_ =	shalt  }
0x72: {  	_ =	shalt  }
0x73: {  	_ =	shalt  }
0x74: {  	_ =	shalt  }
0x75: {  	_ =	shalt  }
0x76: {  	_ =	shalt  }
0x77: {  	_ =	shalt  }
0x78: {  	_ =	shalt  }
0x79: {  	_ =	shalt  }
0x7a: {  	_ =	shalt  }
0x7b: {  	_ =	shalt  }
0x7c: {  	_ =	shalt  }
0x7d: {  	_ =	shalt  }
0x7e: {  	_ =	shalt  }
0x7f: {  	_ =	shalt  }
0x80: {  	_ =	shalt  }
0x81: {  	_ =	shalt  }
0x82: {  	_ =	shalt  }
0x83: {  	_ =	shalt  }
0x84: {  	_ =	shalt  }
0x85: {  	_ =	shalt  }
0x86: {  	_ =	shalt  }
0x87: {  	_ =	shalt  }
.Lfunc_end0:
.L_simem_size_0:
called_computation.2_lowered:
.L_overlay_start_0:
0x88: {  	s2 =	sld [smem:$0x3FD9]  }
0x89: {  	s3 =	sld [smem:$0x3FFE];
	_ =	sdelay $0x1  }
0x8a: {  	s1 =	srdreg.scid  }
0x8b: {  	s0 =	sand.u32 $0x1, s1  }
0x8c: {  	s16 =	sshll.u32 s0, $0xA;
	s2 =	sadd.s32 s3, s2  }
0x8d: {  	s2 =	sadd.s32 s2, s16  }
0x8e: {  	[smem:$0x3FC1] =	sst s2  }
0x8f: {  	_ = 	snop  }
0x90: {  	(tm) =	ssettm $0x1  }
0x91: {  	s17 =	sld [smem:$0x3FFB];
	_ =	sdelay $0x3  }
0x92: {  	_ =	strace s17  }
0x93: {  	s2 =	sld [smem:$0x3FFC];
	_ =	sdelay $0x3  }
0x94: {  	_ =	strace s2  }
0x95: {  	s2 =	sld [smem:$0x3FFD];
	_ =	sdelay $0x3  }
0x96: {  	_ =	strace s2  }
0x97: {  	_ =	strace $0x8FFFFFFF  }
0x98: {  	s18 =	sld [smem:$0x3FDB];
	_ =	sdelay $0x1  }
0x99: {  	s19 =	simm.s32 $_scs_section_size  }
0x9a: {  	s4 =	simm.s32 $_size__tile_overlayer_lowered;
	s5 =	simm.s32 $_tile_overlayer_lowered  }
0x9b: {  	s22 =	simm.s32 $0x1BFF;
	s21 =	sshll.u32 s5, $0x1;
	s2 =	sadd.s32 s19, s18  }
0x9c: {  	s6 =	simm.s32 $0x0;
	s20 =	sshll.u32 s4, $0x1;
	s4 =	sadd.s32 s21, s2  }
0x9d: {  	[timem:s6], [sflag:s22] =	dma.local [hbm:s4], s20  }
0x9e: {  	_ =	swait.ge [sflag:s22], s20  }
0x9f: {  	s3 =	ssub.s32 $0x0, s20;
	[sflag:s22] =	ssyncset.done $0x0  }
0xa0: {  	[sflag:s22] =	ssyncadd.s32 s3;
	_ =	sdelay $0x1  }
0xa1: {  	s23 =	simm.s32 $0x1B8B  }
0xa2: {  	_ =	swait.ge [sflag:s23], $0x1  }
0xa3: {  	[sflag:s23] =	ssyncset.done $0x0  }
0xa4: {  	s25 =	simm.s32 $0x1B8E;
	s24 =	sld [smem:$0x3FFE];
	[sflag:s23] =	ssyncadd.s32 $0xFFFFFFFF  }
0xa5: {  	s26 =	simm.s32 $execute0_lowered;
	[smem:$0x3FD2] =	sst s25  }
0xa6: {  	s4 =	sshll.u32 s26, $0x1;
	_ =	strace $0x8000004C;
	[dreg:$0x1] =	wrdreg $0xFFFFFFFF  }
0xa7: {  	s28 =	simm.s32 $_size_execute0_lowered;
	s2 =	sadd.s32 s2, s4;
	[dreg:$0x0] =	wrdreg $0x0  }
0xa8: {  	s4 =	sshll.u32 s28, $0x1;
	[dreg:$0x2] =	wrdreg s2  }
0xa9: {  	[dreg:$0x3] =	wrdreg s4  }
0xaa: {  	[dreg:$0x4] =	wrdreg $0xC0  }
0xab: {  	_ =	task [dreg:s6], $0x5FFFF  }
0xac: {  	[dreg:$0x1] =	wrdreg $0xFFFFFFFF  }
0xad: {  	[dreg:$0x0] =	wrdreg $0x60  }
0xae: {  	[dreg:$0x2] =	wrdreg s24  }
0xaf: {  	[dreg:$0x3] =	wrdreg $0x0  }
0xb0: {  	[dreg:$0x4] =	wrdreg $0x9  }
0xb1: {  	_ =	task.clear_ibuf [dreg:s6], $0x5FFFF;
	_ =	strace $0x9000004C  }
0xb2: {  	s29 =	simm.s32 $0x9;
	_ =	strace $0x8000004E  }
0xb3: {  	_ =	swait.ge [sflag:s29], $0x1  }
0xb4: {  	[sflag:s29] =	ssyncadd.s32 $0xFFFFFFFF  }
0xb5: {  	_ =	strace $0x9000004E  }
0xb6: {  	_ =	sfence  }
0xb7: {  	s30 =	sld [smem:$0x0];
	_ =	sdelay $0x2  }
0xb8: {  	s31 =	sshll.u32 s1, $0xD;
	s1 =	sshrl.u32 s1, $0x2  }
0xb9: {  	s3 =	sand.u32 $0x4000, s31;
	s1 =	sadd.s32 s1, s30  }
0xba: {  	s0 =	sor.u32 s3, s0;
	s1 =	sshll.u32 s1, $0x11  }
0xbb: {  	s0 =	sor.u32 s1, s0  }
0xbc: {  	s0 =	sadd.s32 $0x8F2B, s0  }
0xbd: {  	[sflag:s0] =	ssyncadd.remote.s32 $0x1  }
0xbe: {  	_ =	sfence.sel $0xFFFF  }
0xbf: {  	[dreg:$0x0] =	wrdreg $0xFFFFFFFF;
	(pc) =	sbr.abs _section_cstart, $3  }
0xc0: {  	[dreg:$0x1] =	wrdreg $0xFFFFFFFF  }
0xc1: {  	_ =	task.clear_ibuf [dreg:s6], $0x2FFFF;
	_ =	strace $0x9FFFFFFF  }
0xc2: {  	(tm) =	ssettm $0x7FFFFFFF  }
0xc3: {  	_ =	shalt  }
tec
execute0_lowered:
.L_overlay_start_1:
0x0: {  	(tag) =	ssettag $0x1  }
0x1: {  	s8 =	rddreg [dreg:$0x0]  }
0x2: {  	s2 =	rddreg [dreg:$0x1];
	s3 =	simm.s32 $0x0  }
0x3: {  	s0 =	stileid.u32;
	s7 =	srdreg.scid;
	s18 =	simm.s32 $0x18100  }
0x4: {  	s19 =	simm.s32 $0x2;
	s20 =	simm.s32 $0x14000;
	s21 =	simm.s32 $0x14080  }
0x5: {  	s22 =	simm.s32 $0x80;
	s23 =	simm.s32 $0x14100;
	s24 =	simm.s32 $0x1  }
0x6: {  	s28 =	simm.s32 $0x0;
	[smem:$0x7FF] =	sst s3;
	s6 =	smul.u32 $0xA20, s0  }
0x7: {  	s4 =	sadd.s32 $0xC000, s8;
	s5 =	sadd.s32 $0x33200, s8;
	s9 =	smul.u32 $0x50000, s0  }
0x8: {  	s10 =	sand.u32 $0x1, s7;
	s7 =	sadd.s32 $0x67200, s8;
	s14 =	smul.u32 $0x2800, s0  }
0x9: {  	s25 =	sshll.u32 s0, $0x6;
	_ =	strace $0x8000004D;
	s11 =	ssub.s32 $0x2, s10  }
0xa: {  	p0 =	seq.s32 s10, $0x1;
	s25 =	sor.u32 $0x1C02, s25;
	s17 =	sadd.s32 s6, s8  }
.Ltmp0:
0xb: {  	s6 =	sadd.s32 $0x5A400, s8;
	s9 =	sshrl.u32 s9, $0x2;
	(pc) =	sbr.rel .LBB2_1-.Ltmp0, $4  }
0xc: {  	s8 =	sadd.s32 $0x8F200, s8;
	s12 =	sshrl.u32 s11, $0x1;
	s9 =	sadd.s32 s9, s2  }
0xd: {  	s15 =	ssub.s32 s11, s12;
	s16 =	sadd.s32 $0x1E00, s17;
	s17 =	sadd.s32 $0x5D000, s17  }
0xe: {  	s10 =	sadd.s32 $0x4000, s9;
	s11 =	sadd.s32 $0x8000, s9;
	s12 =	sadd.s32 $0xC000, s9  }
0xf: {  	s13 =	sadd.s32 $0x10000, s9;
	s15 =	smax.u32 s15, $0x1;
	s26 =	sshrl.u32 s9, $0x3  }
.LBB2_7:
0x10: {  	s0 =	sadd.s32 s29, s17;
	[sflag:s19] =	ssyncadd.s32 $0xFFFFC000  }
0x11: {  	[tilespmem:s20], [sflag:$0x2] =	stream.linear.gather [hbm4b:s0+s3], $0x80, $0x38;
	[tilespmem:$0x1C100] =	vst v63  }
0x12: {  	_ =	swait.ge [sflag:s19], $0x80  }
0x13: {  	[sflag:s19] =	ssyncset.done $0x0  }
0x14: {  	s31 =	sadd.s32 s29, s16;
	[sflag:s19] =	ssyncadd.s32 $0xFFFFFF80  }
0x15: {  	[tilespmem:s21], [sflag:$0x2] =	stream.linear.gather [hbm4b:s31+s3], $0x80, $0x38;
	[tilespmem:$0x1C100] =	vst v63  }
0x16: {  	_ =	swait.ge [sflag:s19], $0x80  }
0x17: {  	[sflag:s19] =	ssyncset.done $0x0  }
0x18: {  	[sflag:s19] =	ssyncadd.s32 $0xFFFFFF80  }
0x19: {  	[tilespmem:s23], [sflag:$0x1] =	stream.indirect.gather [hbm4b:s5+s22], $0x80, s20, s22, $0xb8;
	[tilespmem:$0x1C100] =	vst v63  }
0x1a: {  	_ =	swait.ge [sflag:s24], $0x4000  }
0x1b: {  	[sflag:s24] =	ssyncset.done $0x0  }
0x1c: {  	[sflag:s24] =	ssyncadd.s32 $0xFFFFC000  }
0x1d: {  	[spmem:s2] =	stream.indirect.scatter.add.f32 [tilespmem:s23], [sflag:$0x2], $0x80, s21, s22, $0xb8;
	[tilespmem:$0x1C100] =	vst v63  }
0x1e: {  	_ =	swait.ge [sflag:s19], $0x4000  }
0x1f: {  	[sflag:s19] =	ssyncset.done $0x0  }
0x20: {  	s29 =	smov.u32 s8;
	[sflag:s19] =	ssyncadd.s32 $0xFFFFC000  }
.LBB2_8:
0x21: {  	s28 =	sadd.s32 $0x1, s28  }
0x22: {  	p1 =	sne.s32 s28, s15  }
.Ltmp1:
0x23: {  	s0 =	sadd.s32 s29, s14;
	[bflag:$0x0] =	sbarrier.arrive $0xFFFF;
	(pc) =	sbr.rel @!p1 .LBB2_9-.Ltmp1, $4  }
0x24: {  	[hbm:s0], [sflag:s25] =	dma.local [spmem:s26], $0x2800  }
0x25: {  	_ =	swait.ge [sflag:s19], $0x2800  }
0x26: {  	[sflag:s19] =	ssyncset.done $0x0  }
0x27: {  	[sflag:s19] =	ssyncadd.s32 $0xFFFFD800  }
.LBB2_1:
0x28: {  	[tilespmem:s18], [sflag:$0x2] =	stream.linear.gather [hbm4b:s6+s3], $0x4000, $0x38;
	[tilespmem:$0x1C100] =	vst v63  }
0x29: {  	_ =	swait.ge [sflag:s19], $0x4000  }
0x2a: {  	[sflag:s19] =	ssyncset.done $0x0  }
0x2b: {  	[sflag:s19] =	ssyncadd.s32 $0xFFFFC000  }
0x2c: {  	[spmem:s9] =	stream.linear.scatter [tilespmem:s18], [sflag:$0x2], $0x4000, $0x38;
	[tilespmem:$0x1C100] =	vst v63  }
0x2d: {  	_ =	swait.ge [sflag:s19], $0x4000  }
0x2e: {  	[sflag:s19] =	ssyncset.done $0x0  }
0x2f: {  	[sflag:s19] =	ssyncadd.s32 $0xFFFFC000  }
0x30: {  	[spmem:s10] =	stream.linear.scatter [tilespmem:s18], [sflag:$0x2], $0x4000, $0x38;
	[tilespmem:$0x1C100] =	vst v63  }
0x31: {  	_ =	swait.ge [sflag:s19], $0x4000  }
0x32: {  	[sflag:s19] =	ssyncset.done $0x0  }
0x33: {  	[sflag:s19] =	ssyncadd.s32 $0xFFFFC000  }
0x34: {  	[spmem:s11] =	stream.linear.scatter [tilespmem:s18], [sflag:$0x2], $0x4000, $0x38;
	[tilespmem:$0x1C100] =	vst v63  }
0x35: {  	_ =	swait.ge [sflag:s19], $0x4000  }
0x36: {  	[sflag:s19] =	ssyncset.done $0x0  }
0x37: {  	[sflag:s19] =	ssyncadd.s32 $0xFFFFC000  }
0x38: {  	[spmem:s12] =	stream.linear.scatter [tilespmem:s18], [sflag:$0x2], $0x4000, $0x38;
	[tilespmem:$0x1C100] =	vst v63  }
0x39: {  	_ =	swait.ge [sflag:s19], $0x4000  }
0x3a: {  	[sflag:s19] =	ssyncset.done $0x0  }
0x3b: {  	[sflag:s19] =	ssyncadd.s32 $0xFFFFC000  }
0x3c: {  	[spmem:s13] =	stream.linear.scatter [tilespmem:s18], [sflag:$0x2], $0x4000, $0x38;
	[tilespmem:$0x1C100] =	vst v63  }
.Ltmp2:
0x3d: {  	_ =	swait.ge [sflag:s19], $0x4000;
	(pc) =	sbr.rel @!p0 .LBB2_2-.Ltmp2, $3  }
0x3e: {  	[sflag:s19] =	ssyncset.done $0x0  }
0x3f: {  	[sflag:s19] =	ssyncadd.s32 $0xFFFFC000  }
0x40: {  	[bflag:$0x0] =	sbarrier.arrive $0xFFFF;
	_ =	sdelay $0x1  }
0x41: {  	s0 =	sadd.s32 $0x0, s17  }
0x42: {  	[tilespmem:s20], [sflag:$0x2] =	stream.linear.gather [hbm4b:s0+s3], $0x80, $0x38;
	[tilespmem:$0x1C100] =	vst v63  }
0x43: {  	_ =	swait.ge [sflag:s19], $0x80  }
0x44: {  	[sflag:s19] =	ssyncset.done $0x0  }
0x45: {  	s31 =	sadd.s32 $0x0, s16;
	[sflag:s19] =	ssyncadd.s32 $0xFFFFFF80  }
0x46: {  	[tilespmem:s21], [sflag:$0x2] =	stream.linear.gather [hbm4b:s31+s3], $0x80, $0x38;
	[tilespmem:$0x1C100] =	vst v63  }
0x47: {  	_ =	swait.ge [sflag:s19], $0x80  }
0x48: {  	[sflag:s19] =	ssyncset.done $0x0  }
0x49: {  	[sflag:s19] =	ssyncadd.s32 $0xFFFFFF80  }
0x4a: {  	[tilespmem:s23], [sflag:$0x1] =	stream.indirect.gather [hbm4b:s5+s22], $0x80, s20, s22, $0xb8;
	[tilespmem:$0x1C100] =	vst v63  }
0x4b: {  	_ =	swait.ge [sflag:s24], $0x4000  }
0x4c: {  	[sflag:s24] =	ssyncset.done $0x0  }
0x4d: {  	[sflag:s24] =	ssyncadd.s32 $0xFFFFC000  }
0x4e: {  	[spmem:s2] =	stream.indirect.scatter.add.f32 [tilespmem:s23], [sflag:$0x2], $0x80, s21, s22, $0xb8;
	[tilespmem:$0x1C100] =	vst v63  }
0x4f: {  	_ =	swait.ge [sflag:s19], $0x4000  }
0x50: {  	s29 =	simm.s32 $0x10;
	s30 =	simm.s32 $0x20;
	[sflag:s19] =	ssyncset.done $0x0  }
.LBB2_6:
0x51: {  	s0 =	sadd.s32 s29, s17  }
0x52: {  	[sflag:s19] =	ssyncadd.s32 $0xFFFFC000;
	s1 =	smov.u32 s30;
	s31 =	sadd.s32 $0x10, s30  }
0x53: {  	[tilespmem:s20], [sflag:$0x2] =	stream.linear.gather [hbm4b:s0+s3], $0x80, $0x38;
	[tilespmem:$0x1C100] =	vst v63  }
0x54: {  	p1 =	sne.s32 s30, $0xA10;
	_ =	swait.ge [sflag:s19], $0x80  }
0x55: {  	[sflag:s19] =	ssyncset.done $0x0  }
0x56: {  	s0 =	sadd.s32 s29, s16;
	s29 =	smov.u32 s1;
	[sflag:s19] =	ssyncadd.s32 $0xFFFFFF80  }
0x57: {  	[tilespmem:s21], [sflag:$0x2] =	stream.linear.gather [hbm4b:s0+s3], $0x80, $0x38;
	[tilespmem:$0x1C100] =	vst v63  }
0x58: {  	_ =	swait.ge [sflag:s19], $0x80  }
0x59: {  	[sflag:s19] =	ssyncset.done $0x0  }
0x5a: {  	[sflag:s19] =	ssyncadd.s32 $0xFFFFFF80  }
0x5b: {  	[tilespmem:s23], [sflag:$0x1] =	stream.indirect.gather [hbm4b:s5+s22], $0x80, s20, s22, $0xb8;
	[tilespmem:$0x1C100] =	vst v63  }
0x5c: {  	_ =	swait.ge [sflag:s24], $0x4000  }
.Ltmp3:
0x5d: {  	[sflag:s24] =	ssyncset.done $0x0;
	(pc) =	sbr.rel @p1 .LBB2_6-.Ltmp3, $4  }
0x5e: {  	[sflag:s24] =	ssyncadd.s32 $0xFFFFC000  }
0x5f: {  	[spmem:s2] =	stream.indirect.scatter.add.f32 [tilespmem:s23], [sflag:$0x2], $0x80, s21, s22, $0xb8;
	[tilespmem:$0x1C100] =	vst v63  }
0x60: {  	_ =	swait.ge [sflag:s19], $0x4000  }
0x61: {  	s30 =	smov.u32 s31;
	[sflag:s19] =	ssyncset.done $0x0  }
.Ltmp4:
0x62: {  	_ = 	snop;
	(pc) =	sbr.rel .LBB2_7-.Ltmp4, $1  }
0x63: {  	_ =	sdelay $0x3  }
.LBB2_2:
0x64: {  	s29 =	sadd.s32 $0x0, s17  }
0x65: {  	[tilespmem:s20], [sflag:$0x2] =	stream.linear.gather [hbm4b:s29+s3], $0x80, $0x38;
	[tilespmem:$0x1C100] =	vst v63  }
0x66: {  	_ =	swait.ge [sflag:s19], $0x80  }
0x67: {  	[sflag:s19] =	ssyncset.done $0x0  }
0x68: {  	s29 =	sadd.s32 $0x0, s16;
	[sflag:s19] =	ssyncadd.s32 $0xFFFFFF80  }
0x69: {  	[tilespmem:s21], [sflag:$0x2] =	stream.linear.gather [hbm4b:s29+s3], $0x80, $0x38;
	[tilespmem:$0x1C100] =	vst v63  }
0x6a: {  	_ =	swait.ge [sflag:s19], $0x80  }
0x6b: {  	[sflag:s19] =	ssyncset.done $0x0  }
0x6c: {  	[sflag:s19] =	ssyncadd.s32 $0xFFFFFF80  }
0x6d: {  	[tilespmem:s23], [sflag:$0x1] =	stream.indirect.gather [hbm4b:s4+s22], $0x80, s20, s22, $0xb8;
	[tilespmem:$0x1C100] =	vst v63  }
0x6e: {  	_ =	swait.ge [sflag:s24], $0x4000  }
0x6f: {  	[sflag:s24] =	ssyncset.done $0x0  }
0x70: {  	[sflag:s24] =	ssyncadd.s32 $0xFFFFC000  }
0x71: {  	[spmem:s2] =	stream.indirect.scatter.add.f32 [tilespmem:s23], [sflag:$0x2], $0x80, s21, s22, $0xb8;
	[tilespmem:$0x1C100] =	vst v63  }
0x72: {  	_ =	swait.ge [sflag:s19], $0x4000  }
0x73: {  	s30 =	simm.s32 $0x20;
	s29 =	simm.s32 $0x10;
	[sflag:s19] =	ssyncset.done $0x0  }
.LBB2_3:
0x74: {  	s31 =	sadd.s32 s29, s17  }
0x75: {  	[sflag:s19] =	ssyncadd.s32 $0xFFFFC000;
	s0 =	smov.u32 s30;
	s1 =	sadd.s32 $0x10, s30  }
0x76: {  	[tilespmem:s20], [sflag:$0x2] =	stream.linear.gather [hbm4b:s31+s3], $0x80, $0x38;
	[tilespmem:$0x1C100] =	vst v63  }
0x77: {  	p1 =	seq.s32 s30, $0xA10;
	_ =	swait.ge [sflag:s19], $0x80  }
0x78: {  	[sflag:s19] =	ssyncset.done $0x0  }
0x79: {  	s30 =	sadd.s32 s29, s16;
	s29 =	smov.u32 s0;
	[sflag:s19] =	ssyncadd.s32 $0xFFFFFF80  }
0x7a: {  	[tilespmem:s21], [sflag:$0x2] =	stream.linear.gather [hbm4b:s30+s3], $0x80, $0x38;
	[tilespmem:$0x1C100] =	vst v63  }
0x7b: {  	_ =	swait.ge [sflag:s19], $0x80  }
0x7c: {  	[sflag:s19] =	ssyncset.done $0x0  }
0x7d: {  	[sflag:s19] =	ssyncadd.s32 $0xFFFFFF80  }
0x7e: {  	[tilespmem:s23], [sflag:$0x1] =	stream.indirect.gather [hbm4b:s4+s22], $0x80, s20, s22, $0xb8;
	[tilespmem:$0x1C100] =	vst v63  }
0x7f: {  	_ =	swait.ge [sflag:s24], $0x4000  }
.Ltmp5:
0x80: {  	[sflag:s24] =	ssyncset.done $0x0;
	(pc) =	sbr.rel @!p1 .LBB2_3-.Ltmp5, $4  }
0x81: {  	[sflag:s24] =	ssyncadd.s32 $0xFFFFC000  }
0x82: {  	[spmem:s2] =	stream.indirect.scatter.add.f32 [tilespmem:s23], [sflag:$0x2], $0x80, s21, s22, $0xb8;
	[tilespmem:$0x1C100] =	vst v63  }
0x83: {  	_ =	swait.ge [sflag:s19], $0x4000  }
0x84: {  	s30 =	smov.u32 s1;
	[sflag:s19] =	ssyncset.done $0x0  }
0x85: {  	s0 =	sadd.s32 s29, s17;
	[sflag:s19] =	ssyncadd.s32 $0xFFFFC000  }
0x86: {  	[tilespmem:s20], [sflag:$0x2] =	stream.linear.gather [hbm4b:s0+s3], $0x80, $0x38;
	[tilespmem:$0x1C100] =	vst v63  }
0x87: {  	_ =	swait.ge [sflag:s19], $0x80  }
0x88: {  	[sflag:s19] =	ssyncset.done $0x0  }
0x89: {  	s31 =	sadd.s32 s29, s16;
	[sflag:s19] =	ssyncadd.s32 $0xFFFFFF80  }
0x8a: {  	[tilespmem:s21], [sflag:$0x2] =	stream.linear.gather [hbm4b:s31+s3], $0x80, $0x38;
	[tilespmem:$0x1C100] =	vst v63  }
0x8b: {  	_ =	swait.ge [sflag:s19], $0x80  }
0x8c: {  	[sflag:s19] =	ssyncset.done $0x0  }
0x8d: {  	[sflag:s19] =	ssyncadd.s32 $0xFFFFFF80  }
0x8e: {  	[tilespmem:s23], [sflag:$0x1] =	stream.indirect.gather [hbm4b:s4+s22], $0x80, s20, s22, $0xb8;
	[tilespmem:$0x1C100] =	vst v63  }
0x8f: {  	_ =	swait.ge [sflag:s24], $0x4000  }
0x90: {  	[sflag:s24] =	ssyncset.done $0x0  }
.Ltmp6:
0x91: {  	[sflag:s24] =	ssyncadd.s32 $0xFFFFC000;
	(pc) =	sbr.rel .LBB2_8-.Ltmp6, $4  }
0x92: {  	[spmem:s2] =	stream.indirect.scatter.add.f32 [tilespmem:s23], [sflag:$0x2], $0x80, s21, s22, $0xb8;
	[tilespmem:$0x1C100] =	vst v63  }
0x93: {  	_ =	swait.ge [sflag:s19], $0x4000  }
0x94: {  	[sflag:s19] =	ssyncset.done $0x0  }
0x95: {  	s29 =	smov.u32 s7;
	[sflag:s19] =	ssyncadd.s32 $0xFFFFC000  }
.LBB2_9:
0x96: {  	_ =	sfence.sel $0x180000  }
0x97: {  	[bflag:$0x0] =	sbarrier.arrive $0xFFFF  }
0x98: {  	_ =	strace $0x9000004D  }
0x99: {  	s0 =	stileid.u32;
	[bflag:$0x2] =	sbarrier.arrive $0xFFFF  }
0x9a: {  	p0 =	sne.s32 s0, $0x0;
	s0 =	rddreg [dreg:$0x2]  }
0x9b: {  	s0 =	sadd.s32 @!p0 $0x100000, s0  }
0x9c: {  	[sflag:s0] =	ssyncadd.tile.s32 @!p0 $0x1;
	_ =	shalt  }
.Lfunc_end2:
_tile_overlayer_lowered:
.L_overlay_start_2:
0x9d: {  	(tag) =	ssettag $0x2  }
0x9e: {  	s0 =	rddreg [dreg:$0x0];
	s2 =	stileid.u32  }
0x9f: {  	s1 =	rddreg [dreg:$0x1];
	p0 =	sne.s32 s2, $0x0  }
0xa0: {  	s3 =	rddreg [dreg:$0x2];
	[bflag:$0x3] =	sbarrier.arrive $0xFFFF;
	s2 =	simm.s32 @!p0 $0x1C02  }
0xa1: {  	[timem:s3], [sflag:s2] =	dma.local @!p0 [hbm:s0], s1  }
0xa2: {  	s0 =	simm.s32 @!p0 $0x2  }
0xa3: {  	_ =	swait.ge @!p0 [sflag:s0], s1  }
0xa4: {  	s1 =	ssub.s32 @!p0 $0x0, s1;
	[sflag:s0] =	ssyncset.done @!p0 $0x0  }
0xa5: {  	[sflag:s0] =	ssyncadd.s32 @!p0 s1  }
0xa6: {  	[bflag:$0x3] =	sbarrier.arrive $0xFFFF  }
0xa7: {  	_ =	shalt  }

// kernel: kernel.8.cloned.1.call-start
scs
__scs_entry_jumppad:
0x0: {  	(pc) =	sbr.rel $0x88, $3  }
0x1: {  	(tag) =	ssettag $0x0;
	lr =	simm.s32 $0x1  }
0x2: {  	[smem:$0x3F9A] =	sst lr;
	_ =	strace $0xD0000000  }
0x3: {  	_ = 	snop  }
0x4: {  	_ = 	snop  }
0x5: {  	_ = 	snop  }
0x6: {  	_ = 	snop  }
0x7: {  	_ = 	snop  }
__scs_overlays_trampoline_lowered:
0x8: {  	[smem:$0x3FA9] =	sst s0  }
0x9: {  	[smem:$0x3FAA] =	sst s1  }
0xa: {  	[smem:$0x3FAB] =	sst s2  }
0xb: {  	[smem:$0x3FAC] =	sst s3  }
0xc: {  	[smem:$0x3FAD] =	sst s4  }
0xd: {  	[smem:$0x3FAE] =	sst s5  }
0xe: {  	[smem:$0x3FAF] =	sst s6  }
0xf: {  	[smem:$0x3FB0] =	sst s7  }
0x10: {  	[smem:$0x3FB1] =	sst s8  }
0x11: {  	[smem:$0x3FB2] =	sst s9;
	s0 =	simm.s32 @!p0 $0x0  }
0x12: {  	s1 =	sld [smem:$0x3F98];
	s0 =	simm.s32 @p0 $0x1  }
0x13: {  	[smem:$0x3FB3] =	sst s0;
	s0 =	simm.s32 @!p1 $0x0  }
0x14: {  	s2 =	sld [smem:$0x3F97];
	s0 =	simm.s32 @p1 $0x1  }
0x15: {  	[smem:$0x3FB4] =	sst s0;
	s0 =	simm.s32 @!p2 $0x0  }
0x16: {  	s3 =	sld [smem:$0x3FDB];
	s0 =	simm.s32 @p2 $0x1  }
0x17: {  	s4 =	simm.s32 $0x1BF5;
	[smem:$0x3FB6] =	sst s0  }
0x18: {  	s0 =	sld [smem:$0x3F99];
	_ =	swait.ge [sflag:s4], $0x0  }
0x19: {  	s7 =	sld [smem:$0x3F9A]  }
0x1a: {  	s8 =	sadd.s32 $0xFFFFE003, lr  }
0x1b: {  	s9 =	sadd.s32 $0xFFFFFEF7, lr;
	s5 =	simm.s32 $0xFFFFFFFF;
	p2 =	slt.u32 s8, $0xFFFFF086  }
0x1c: {  	p1 =	slt.u32 s9, $0xF7A;
	s5 =	simm.s32 @!p2 $0x0  }
0x1d: {  	s5 =	simm.s32 @p1 $0x1;
	p0 =	seq.s32 s7, s2  }
0x1e: {  	s7 =	smul.u32 @!p0 $0xF7A, s2;
	p2 =	seq.s32 @!p0 s5, $0x0  }
0x1f: {  	s9 =	smul.u32 $0xF7A, s1;
	s8 =	simm.s32 @!p0 $0x1BF5;
	p2 =	por !p2, p0  }
0x20: {  	[sflag:s8] =	ssyncset.s32 @!p0 $0xFFFFF086;
	s6 =	sadd.s32 @!p0 s3, s7;
	s7 =	simm.s32 @!p0 $0x108  }
0x21: {  	s3 =	sadd.s32 s3, s9;
	s6 =	sadd.s32 @!p0 $0x88, s6;
	s7 =	simm.s32 @p2 $0x1082  }
0x22: {  	[simem:s7], [sflag:s8] =	dma.local @!p0 [hbm:s6], $0xF7A  }
0x23: {  	s9 =	sor.u32 $0xD0000000, s2;
	s6 =	simm.s32 $0x108;
	_ =	swait.ge @!p0 [sflag:s8], $0x0  }
0x24: {  	s3 =	sadd.s32 $0x88, s3;
	s6 =	simm.s32 @!p1 $0x1082;
	[sflag:s4] =	ssyncset.s32 $0xFFFFF086  }
0x25: {  	[simem:s6], [sflag:s4] =	dma.local [hbm:s3], $0xF7A  }
0x26: {  	[smem:$0x3F9A] =	sst s1;
	(tag) =	ssettag s2;
	_ =	strace s9  }
0x27: {  	s1 =	sld [smem:$0x3FAA]  }
0x28: {  	s2 =	sld [smem:$0x3FAB]  }
0x29: {  	s4 =	sld [smem:$0x3FAD]  }
0x2a: {  	p0 =	seq.s32 s5, $0x0;
	s5 =	sld [smem:$0x3FAE]  }
0x2b: {  	s6 =	sld [smem:$0x3FAF]  }
0x2c: {  	s7 =	sld [smem:$0x3FB0]  }
0x2d: {  	s3 =	simm.s32 $0x108;
	s8 =	sld [smem:$0x3FB1]  }
0x2e: {  	s3 =	simm.s32 @!p0 $0x1082;
	s9 =	sld [smem:$0x3FB2]  }
0x2f: {  	lr =	sadd.s32 s0, s3;
	s0 =	sld [smem:$0x3FA9]  }
0x30: {  	s3 =	sld [smem:$0x3FAC]  }
0x31: {  	[smem:$0x3FB5] =	sst s10  }
0x32: {  	s10 =	sld [smem:$0x3FB3];
	_ =	sdelay $0x3  }
0x33: {  	p0 =	seq.s32 s10, $0x1;
	s10 =	sld [smem:$0x3FB5];
	_ =	sdelay $0x3  }
0x34: {  	[smem:$0x3FB5] =	sst s10  }
0x35: {  	s10 =	sld [smem:$0x3FB4];
	_ =	sdelay $0x3  }
0x36: {  	p1 =	seq.s32 s10, $0x1;
	s10 =	sld [smem:$0x3FB5];
	_ =	sdelay $0x3  }
0x37: {  	[smem:$0x3FB5] =	sst s10  }
0x38: {  	s10 =	sld [smem:$0x3FB6]  }
0x39: {  	_ = 	snop;
	(pc) =	sbr.ind lr, $3  }
0x3a: {  	_ = 	snop  }
0x3b: {  	_ = 	snop  }
0x3c: {  	p2 =	seq.s32 s10, $0x1;
	s10 =	sld [smem:$0x3FB5]  }
0x3d: {  	_ =	shalt  }
0x3e: {  	_ =	shalt  }
0x3f: {  	_ =	shalt  }
0x40: {  	_ =	shalt  }
0x41: {  	_ =	shalt  }
0x42: {  	_ =	shalt  }
0x43: {  	_ =	shalt  }
0x44: {  	_ =	shalt  }
0x45: {  	_ =	shalt  }
0x46: {  	_ =	shalt  }
0x47: {  	_ =	shalt  }
0x48: {  	_ =	shalt  }
0x49: {  	_ =	shalt  }
0x4a: {  	_ =	shalt  }
0x4b: {  	_ =	shalt  }
0x4c: {  	_ =	shalt  }
0x4d: {  	_ =	shalt  }
0x4e: {  	_ =	shalt  }
0x4f: {  	_ =	shalt  }
0x50: {  	_ =	shalt  }
0x51: {  	_ =	shalt  }
0x52: {  	_ =	shalt  }
0x53: {  	_ =	shalt  }
0x54: {  	_ =	shalt  }
0x55: {  	_ =	shalt  }
0x56: {  	_ =	shalt  }
0x57: {  	_ =	shalt  }
0x58: {  	_ =	shalt  }
0x59: {  	_ =	shalt  }
0x5a: {  	_ =	shalt  }
0x5b: {  	_ =	shalt  }
0x5c: {  	_ =	shalt  }
0x5d: {  	_ =	shalt  }
0x5e: {  	_ =	shalt  }
0x5f: {  	_ =	shalt  }
0x60: {  	_ =	shalt  }
0x61: {  	_ =	shalt  }
0x62: {  	_ =	shalt  }
0x63: {  	_ =	shalt  }
0x64: {  	_ =	shalt  }
0x65: {  	_ =	shalt  }
0x66: {  	_ =	shalt  }
0x67: {  	_ =	shalt  }
0x68: {  	_ =	shalt  }
0x69: {  	_ =	shalt  }
0x6a: {  	_ =	shalt  }
0x6b: {  	_ =	shalt  }
0x6c: {  	_ =	shalt  }
0x6d: {  	_ =	shalt  }
0x6e: {  	_ =	shalt  }
0x6f: {  	_ =	shalt  }
0x70: {  	_ =	shalt  }
0x71: {  	_ =	shalt  }
0x72: {  	_ =	shalt  }
0x73: {  	_ =	shalt  }
0x74: {  	_ =	shalt  }
0x75: {  	_ =	shalt  }
0x76: {  	_ =	shalt  }
0x77: {  	_ =	shalt  }
0x78: {  	_ =	shalt  }
0x79: {  	_ =	shalt  }
0x7a: {  	_ =	shalt  }
0x7b: {  	_ =	shalt  }
0x7c: {  	_ =	shalt  }
0x7d: {  	_ =	shalt  }
0x7e: {  	_ =	shalt  }
0x7f: {  	_ =	shalt  }
0x80: {  	_ =	shalt  }
0x81: {  	_ =	shalt  }
0x82: {  	_ =	shalt  }
0x83: {  	_ =	shalt  }
0x84: {  	_ =	shalt  }
0x85: {  	_ =	shalt  }
0x86: {  	_ =	shalt  }
0x87: {  	_ =	shalt  }
.Lfunc_end0:
.L_simem_size_0:
called_computation_lowered:
.L_overlay_start_0:
0x88: {  	s2 =	sld [smem:$0x3FD9]  }
0x89: {  	s3 =	sld [smem:$0x3FFE];
	_ =	sdelay $0x1  }
0x8a: {  	s1 =	srdreg.scid  }
0x8b: {  	s0 =	sand.u32 $0x1, s1  }
0x8c: {  	s17 =	sshll.u32 s0, $0xA;
	s2 =	sadd.s32 s3, s2  }
0x8d: {  	s2 =	sadd.s32 s2, s17  }
0x8e: {  	[smem:$0x3FC1] =	sst s2  }
0x8f: {  	_ = 	snop  }
0x90: {  	s2 =	sld [smem:$0x3FC9];
	(tm) =	ssettm $0x1  }
0x91: {  	s18 =	sld [smem:$0x3FFB];
	_ =	sdelay $0x3  }
0x92: {  	_ =	strace s18  }
0x93: {  	s3 =	sld [smem:$0x3FFC];
	_ =	sdelay $0x3  }
0x94: {  	_ =	strace s3  }
0x95: {  	s3 =	sld [smem:$0x3FFD];
	_ =	sdelay $0x3  }
0x96: {  	_ =	strace s3  }
0x97: {  	_ =	strace $0x8FFFFFFF  }
0x98: {  	s19 =	sld [smem:$0x3FDB];
	_ =	sdelay $0x1  }
0x99: {  	s4 =	simm.s32 $_scs_section_size  }
0x9a: {  	s5 =	simm.s32 $_size__tile_overlayer_lowered;
	s6 =	simm.s32 $_tile_overlayer_lowered  }
0x9b: {  	s22 =	simm.s32 $0x1BFF;
	s21 =	sshll.u32 s6, $0x1;
	s3 =	sadd.s32 s4, s19  }
0x9c: {  	s7 =	simm.s32 $0x0;
	s20 =	sshll.u32 s5, $0x1;
	s5 =	sadd.s32 s21, s3  }
0x9d: {  	[timem:s7], [sflag:s22] =	dma.local [hbm:s5], s20  }
0x9e: {  	_ =	swait.ge [sflag:s22], s20  }
0x9f: {  	s4 =	ssub.s32 $0x0, s20;
	[sflag:s22] =	ssyncset.done $0x0  }
0xa0: {  	[sflag:s22] =	ssyncadd.s32 s4;
	_ =	sdelay $0x1  }
0xa1: {  	s23 =	simm.s32 $0x1B8B  }
0xa2: {  	_ =	swait.ge [sflag:s23], $0x1  }
0xa3: {  	[sflag:s23] =	ssyncset.done $0x0  }
0xa4: {  	s25 =	simm.s32 $0x1B8E;
	s24 =	sld [smem:$0x3FFE];
	[sflag:s23] =	ssyncadd.s32 $0xFFFFFFFF  }
0xa5: {  	s26 =	simm.s32 $execute0_lowered;
	[smem:$0x3FD2] =	sst s25  }
0xa6: {  	s5 =	sshll.u32 s26, $0x1;
	_ =	strace $0x80000046;
	[dreg:$0x1] =	wrdreg $0xFFFFFFFF  }
0xa7: {  	s28 =	simm.s32 $_size_execute0_lowered;
	s3 =	sadd.s32 s3, s5;
	[dreg:$0x0] =	wrdreg $0x0  }
0xa8: {  	s5 =	sshll.u32 s28, $0x1;
	[dreg:$0x2] =	wrdreg s3  }
0xa9: {  	[dreg:$0x3] =	wrdreg s5  }
0xaa: {  	[dreg:$0x4] =	wrdreg $0xC0  }
0xab: {  	_ =	task [dreg:s7], $0x5FFFF  }
0xac: {  	[dreg:$0x1] =	wrdreg $0xFFFFFFFF  }
0xad: {  	[dreg:$0x0] =	wrdreg $0x60  }
0xae: {  	[dreg:$0x2] =	wrdreg s2  }
0xaf: {  	[dreg:$0x3] =	wrdreg s24  }
0xb0: {  	[dreg:$0x4] =	wrdreg $0x0  }
0xb1: {  	[dreg:$0x5] =	wrdreg $0x9  }
0xb2: {  	_ =	task.clear_ibuf [dreg:s7], $0x6FFFF;
	_ =	strace $0x90000046  }
0xb3: {  	s29 =	simm.s32 $0x9;
	_ =	strace $0x80000048  }
0xb4: {  	_ =	swait.ge [sflag:s29], $0x1  }
0xb5: {  	[sflag:s29] =	ssyncadd.s32 $0xFFFFFFFF  }
0xb6: {  	_ =	strace $0x90000048  }
0xb7: {  	_ =	sfence  }
0xb8: {  	s30 =	sld [smem:$0x0];
	_ =	sdelay $0x2  }
0xb9: {  	s31 =	sshll.u32 s1, $0xD;
	s1 =	sshrl.u32 s1, $0x2  }
0xba: {  	s3 =	sand.u32 $0x4000, s31;
	s1 =	sadd.s32 s1, s30  }
0xbb: {  	s0 =	sor.u32 s3, s0;
	s1 =	sshll.u32 s1, $0x11  }
0xbc: {  	s0 =	sor.u32 s1, s0  }
0xbd: {  	s0 =	sadd.s32 $0x8F2B, s0  }
0xbe: {  	[sflag:s0] =	ssyncadd.remote.s32 $0x1  }
0xbf: {  	_ =	sfence.sel $0xFFFF  }
0xc0: {  	[dreg:$0x0] =	wrdreg $0xFFFFFFFF;
	(pc) =	sbr.abs _section_cstart, $3  }
0xc1: {  	[dreg:$0x1] =	wrdreg $0xFFFFFFFF  }
0xc2: {  	_ =	task.clear_ibuf [dreg:s7], $0x2FFFF;
	_ =	strace $0x9FFFFFFF  }
0xc3: {  	(tm) =	ssettm $0x7FFFFFFF  }
tec
execute0_lowered:
.L_overlay_start_1:
0x0: {  	(tag) =	ssettag $0x1  }
0x1: {  	s1 =	rddreg [dreg:$0x0]  }
0x2: {  	s0 =	rddreg [dreg:$0x1]  }
0x3: {  	s3 =	rddreg [dreg:$0x2];
	s4 =	simm.s32 $0x0;
	s14 =	stileid.u32  }
0x4: {  	s5 =	srdreg.scid;
	s28 =	simm.s32 $0xA880;
	s29 =	simm.s32 $0x2800  }
0x5: {  	s30 =	simm.s32 $0x80;
	s31 =	simm.s32 $0x2880;
	[smem:$0x7FF] =	sst s4  }
0x6: {  	s2 =	smul.u32 $0xA20, s14;
	s6 =	sadd.s32 $0x1800, s0;
	s5 =	sand.u32 $0x1, s5  }
0x7: {  	s7 =	sadd.s32 $0xC000, s0;
	s8 =	smul.u32 $0x2800, s14;
	s9 =	sadd.s32 $0xC800, s0  }
0x8: {  	s15 =	smul.u32 $0x280, s14;
	_ =	strace $0x80000047;
	[dreg:$0x4] =	wrdreg s7  }
0x9: {  	s16 =	sadd.s32 $0xD000, s0;
	s17 =	ssub.s32 $0x2, s5;
	[dreg:$0x5] =	wrdreg s9  }
0xa: {  	p0 =	seq.s32 s5, $0x1;
	s2 =	sadd.s32 s2, s0;
	s18 =	sshrl.u32 s17, $0x1  }
0xb: {  	s0 =	sadd.s32 s8, s0;
	s19 =	sshrl.u32 s15, $0x3;
	s10 =	sadd.s32 $0x80, s15  }
0xc: {  	s20 =	sadd.s32 s16, s8;
	s11 =	sadd.s32 $0x100, s15;
	s25 =	sadd.s32 $0x180, s15  }
0xd: {  	s26 =	sadd.s32 $0x200, s15;
	s23 =	ssub.s32 s17, s18;
	s5 =	sadd.s32 s6, s19  }
0xe: {  	[dreg:$0x7] =	wrdreg s20;
	s21 =	sshrl.u32 s10, $0x3;
	s22 =	sshll.u32 s10, $0x4  }
0xf: {  	s24 =	sshrl.u32 s11, $0x3;
	s12 =	sshll.u32 s11, $0x4;
	s13 =	sshrl.u32 s25, $0x3  }
0x10: {  	s17 =	smul.u32 $0x50000, s14;
	s15 =	sshrl.u32 s26, $0x3;
	[dreg:$0x6] =	wrdreg s5  }
0x11: {  	s9 =	sadd.s32 s6, s21;
	s10 =	sadd.s32 s16, s22;
	s11 =	sadd.s32 s6, s24  }
0x12: {  	s12 =	sadd.s32 s16, s12;
	s5 =	sshll.u32 s25, $0x4;
	s13 =	sadd.s32 s6, s13  }
0x13: {  	s15 =	sadd.s32 s6, s15;
	s22 =	sadd.s32 $0x35000, s0;
	s23 =	smax.u32 s23, $0x1  }
.Ltmp0:
0x14: {  	s24 =	sadd.s32 $0x1E00, s2;
	s25 =	simm.s32 $0x6880;
	(pc) =	sbr.rel .LBB2_1-.Ltmp0, $4  }
0x15: {  	s0 =	simm.s32 $0x1;
	s2 =	simm.s32 $0x0;
	s17 =	sshrl.u32 s17, $0x2  }
0x16: {  	s14 =	sadd.s32 s16, s5;
	s5 =	sshll.u32 s26, $0x4;
	s17 =	sadd.s32 s17, s3  }
0x17: {  	s26 =	simm.s32 $0x2;
	s16 =	sadd.s32 s16, s5;
	s18 =	sadd.s32 $0x4000, s17  }
0x18: {  	s19 =	sadd.s32 $0x8000, s17;
	s20 =	sadd.s32 $0xC000, s17;
	s21 =	sadd.s32 $0x10000, s17  }
.LBB2_2:
0x19: {  	s5 =	rddreg [dreg:$0x6]  }
0x1a: {  	[tilespmem:s29], [sflag:$0x2] =	stream.linear.gather [hbm4b:s5+s4], $0x80, $0x38;
	[tilespmem:$0xE880] =	vst v63  }
0x1b: {  	_ =	swait.ge [sflag:s26], $0x80  }
0x1c: {  	[sflag:s26] =	ssyncset.done $0x0  }
0x1d: {  	[sflag:s26] =	ssyncadd.s32 $0xFFFFFF80  }
0x1e: {  	[tilespmem:s31], [sflag:$0x1] =	stream.indirect.gather [hbm4b:s1+s30], $0x80, s29, s30, $0xb8;
	[tilespmem:$0xE880] =	vst v63  }
0x1f: {  	_ =	swait.ge [sflag:s0], $0x4000  }
0x20: {  	[sflag:s0] =	ssyncset.done $0x0  }
0x21: {  	s8 =	rddreg [dreg:$0x7];
	[sflag:s0] =	ssyncadd.s32 $0xFFFFC000  }
0x22: {  	[hbm4b:s8+s4] =	stream.linear.scatter [tilespmem:s31], [sflag:$0x2], $0x4000, $0x38;
	[tilespmem:$0xE880] =	vst v63  }
0x23: {  	_ =	swait.ge [sflag:s26], $0x4000  }
0x24: {  	[sflag:s26] =	ssyncset.done $0x0  }
0x25: {  	[sflag:s26] =	ssyncadd.s32 $0xFFFFC000  }
0x26: {  	[tilespmem:s29], [sflag:$0x2] =	stream.linear.gather [hbm4b:s9+s4], $0x80, $0x38;
	[tilespmem:$0xE880] =	vst v63  }
0x27: {  	_ =	swait.ge [sflag:s26], $0x80  }
0x28: {  	[sflag:s26] =	ssyncset.done $0x0  }
0x29: {  	[sflag:s26] =	ssyncadd.s32 $0xFFFFFF80  }
0x2a: {  	[tilespmem:s31], [sflag:$0x1] =	stream.indirect.gather [hbm4b:s1+s30], $0x80, s29, s30, $0xb8;
	[tilespmem:$0xE880] =	vst v63  }
0x2b: {  	_ =	swait.ge [sflag:s0], $0x4000  }
0x2c: {  	[sflag:s0] =	ssyncset.done $0x0  }
0x2d: {  	[sflag:s0] =	ssyncadd.s32 $0xFFFFC000  }
0x2e: {  	[hbm4b:s10+s4] =	stream.linear.scatter [tilespmem:s31], [sflag:$0x2], $0x4000, $0x38;
	[tilespmem:$0xE880] =	vst v63  }
0x2f: {  	_ =	swait.ge [sflag:s26], $0x4000  }
0x30: {  	[sflag:s26] =	ssyncset.done $0x0  }
0x31: {  	[sflag:s26] =	ssyncadd.s32 $0xFFFFC000  }
0x32: {  	[tilespmem:s29], [sflag:$0x2] =	stream.linear.gather [hbm4b:s11+s4], $0x80, $0x38;
	[tilespmem:$0xE880] =	vst v63  }
0x33: {  	_ =	swait.ge [sflag:s26], $0x80  }
0x34: {  	[sflag:s26] =	ssyncset.done $0x0  }
0x35: {  	[sflag:s26] =	ssyncadd.s32 $0xFFFFFF80  }
0x36: {  	[tilespmem:s31], [sflag:$0x1] =	stream.indirect.gather [hbm4b:s1+s30], $0x80, s29, s30, $0xb8;
	[tilespmem:$0xE880] =	vst v63  }
0x37: {  	_ =	swait.ge [sflag:s0], $0x4000  }
0x38: {  	[sflag:s0] =	ssyncset.done $0x0  }
0x39: {  	[sflag:s0] =	ssyncadd.s32 $0xFFFFC000  }
0x3a: {  	[hbm4b:s12+s4] =	stream.linear.scatter [tilespmem:s31], [sflag:$0x2], $0x4000, $0x38;
	[tilespmem:$0xE880] =	vst v63  }
0x3b: {  	_ =	swait.ge [sflag:s26], $0x4000  }
0x3c: {  	[sflag:s26] =	ssyncset.done $0x0  }
0x3d: {  	[sflag:s26] =	ssyncadd.s32 $0xFFFFC000  }
0x3e: {  	[tilespmem:s29], [sflag:$0x2] =	stream.linear.gather [hbm4b:s13+s4], $0x80, $0x38;
	[tilespmem:$0xE880] =	vst v63  }
0x3f: {  	_ =	swait.ge [sflag:s26], $0x80  }
0x40: {  	[sflag:s26] =	ssyncset.done $0x0  }
0x41: {  	[sflag:s26] =	ssyncadd.s32 $0xFFFFFF80  }
0x42: {  	[tilespmem:s31], [sflag:$0x1] =	stream.indirect.gather [hbm4b:s1+s30], $0x80, s29, s30, $0xb8;
	[tilespmem:$0xE880] =	vst v63  }
0x43: {  	_ =	swait.ge [sflag:s0], $0x4000  }
0x44: {  	[sflag:s0] =	ssyncset.done $0x0  }
0x45: {  	[sflag:s0] =	ssyncadd.s32 $0xFFFFC000  }
0x46: {  	[hbm4b:s14+s4] =	stream.linear.scatter [tilespmem:s31], [sflag:$0x2], $0x4000, $0x38;
	[tilespmem:$0xE880] =	vst v63  }
0x47: {  	_ =	swait.ge [sflag:s26], $0x4000  }
0x48: {  	[sflag:s26] =	ssyncset.done $0x0  }
0x49: {  	[sflag:s26] =	ssyncadd.s32 $0xFFFFC000  }
0x4a: {  	[tilespmem:s29], [sflag:$0x2] =	stream.linear.gather [hbm4b:s15+s4], $0x80, $0x38;
	[tilespmem:$0xE880] =	vst v63  }
0x4b: {  	_ =	swait.ge [sflag:s26], $0x80  }
0x4c: {  	[sflag:s26] =	ssyncset.done $0x0  }
0x4d: {  	[sflag:s26] =	ssyncadd.s32 $0xFFFFFF80  }
0x4e: {  	[tilespmem:s31], [sflag:$0x1] =	stream.indirect.gather [hbm4b:s1+s30], $0x80, s29, s30, $0xb8;
	[tilespmem:$0xE880] =	vst v63  }
0x4f: {  	_ =	swait.ge [sflag:s0], $0x4000  }
0x50: {  	[sflag:s0] =	ssyncset.done $0x0  }
0x51: {  	[sflag:s0] =	ssyncadd.s32 $0xFFFFC000  }
0x52: {  	[hbm4b:s16+s4] =	stream.linear.scatter [tilespmem:s31], [sflag:$0x2], $0x4000, $0x38;
	[tilespmem:$0xE880] =	vst v63  }
0x53: {  	_ =	swait.ge [sflag:s26], $0x4000  }
0x54: {  	[sflag:s26] =	ssyncset.done $0x0  }
0x55: {  	[sflag:s26] =	ssyncadd.s32 $0xFFFFC000  }
.LBB2_6:
0x56: {  	s2 =	sadd.s32 $0x1, s2  }
0x57: {  	p1 =	sne.s32 s2, s23  }
.Ltmp1:
0x58: {  	_ = 	snop;
	(pc) =	sbr.rel @!p1 .LBB2_7-.Ltmp1, $1  }
0x59: {  	_ =	sdelay $0x3  }
.LBB2_1:
.Ltmp2:
0x5a: {  	(pc) =	sbr.rel @!p0 .LBB2_2-.Ltmp2, $1  }
0x5b: {  	_ =	sdelay $0x3  }
0x5c: {  	s5 =	simm.s32 $0x0;
	s6 =	rddreg [dreg:$0x4]  }
0x5d: {  	[tilespmem:s25], [sflag:$0x2] =	stream.linear.gather [hbm4b:s6+s5], $0x4000, $0x38;
	[tilespmem:$0xE880] =	vst v63  }
0x5e: {  	_ =	swait.ge [sflag:s26], $0x4000  }
0x5f: {  	[sflag:s26] =	ssyncset.done $0x0  }
0x60: {  	s7 =	rddreg [dreg:$0x5];
	[sflag:s26] =	ssyncadd.s32 $0xFFFFC000  }
0x61: {  	[tilespmem:s28], [sflag:$0x2] =	stream.linear.gather [hbm4b:s7+s5], $0x4000, $0x38;
	[tilespmem:$0xE880] =	vst v63  }
0x62: {  	_ =	swait.ge [sflag:s26], $0x4000  }
0x63: {  	[sflag:s26] =	ssyncset.done $0x0  }
0x64: {  	[sflag:s26] =	ssyncadd.s32 $0xFFFFC000  }
0x65: {  	[spmem:s17] =	stream.linear.scatter [tilespmem:s28], [sflag:$0x2], $0x4000, $0x38;
	[tilespmem:$0xE880] =	vst v63  }
0x66: {  	_ =	swait.ge [sflag:s26], $0x4000  }
0x67: {  	[sflag:s26] =	ssyncset.done $0x0  }
0x68: {  	[sflag:s26] =	ssyncadd.s32 $0xFFFFC000  }
0x69: {  	[spmem:s18] =	stream.linear.scatter [tilespmem:s28], [sflag:$0x2], $0x4000, $0x38;
	[tilespmem:$0xE880] =	vst v63  }
0x6a: {  	_ =	swait.ge [sflag:s26], $0x4000  }
0x6b: {  	[sflag:s26] =	ssyncset.done $0x0  }
0x6c: {  	[sflag:s26] =	ssyncadd.s32 $0xFFFFC000  }
0x6d: {  	[spmem:s19] =	stream.linear.scatter [tilespmem:s28], [sflag:$0x2], $0x4000, $0x38;
	[tilespmem:$0xE880] =	vst v63  }
0x6e: {  	_ =	swait.ge [sflag:s26], $0x4000  }
0x6f: {  	[sflag:s26] =	ssyncset.done $0x0  }
0x70: {  	[sflag:s26] =	ssyncadd.s32 $0xFFFFC000  }
0x71: {  	[spmem:s20] =	stream.linear.scatter [tilespmem:s28], [sflag:$0x2], $0x4000, $0x38;
	[tilespmem:$0xE880] =	vst v63  }
0x72: {  	_ =	swait.ge [sflag:s26], $0x4000  }
0x73: {  	[sflag:s26] =	ssyncset.done $0x0  }
0x74: {  	[sflag:s26] =	ssyncadd.s32 $0xFFFFC000  }
0x75: {  	[spmem:s21] =	stream.linear.scatter [tilespmem:s28], [sflag:$0x2], $0x4000, $0x38;
	[tilespmem:$0xE880] =	vst v63  }
0x76: {  	_ =	swait.ge [sflag:s26], $0x4000  }
0x77: {  	[sflag:s26] =	ssyncset.done $0x0  }
0x78: {  	[sflag:s26] =	ssyncadd.s32 $0xFFFFC000  }
0x79: {  	s8 =	sadd.s32 $0x0, s24;
	[bflag:$0x0] =	sbarrier.arrive $0xFFFF  }
0x7a: {  	[tilespmem:s29], [sflag:$0x2] =	stream.linear.gather [hbm4b:s8+s4], $0x80, $0x38;
	[tilespmem:$0xE880] =	vst v63  }
0x7b: {  	_ =	swait.ge [sflag:s26], $0x80  }
0x7c: {  	[sflag:s26] =	ssyncset.done $0x0  }
0x7d: {  	[sflag:s26] =	ssyncadd.s32 $0xFFFFFF80  }
0x7e: {  	[spmem:s3] =	stream.indirect.scatter.add.f32 [tilespmem:s25], [sflag:$0x2], $0x10, s29, s30, $0xb8;
	[tilespmem:$0xE880] =	vst v63  }
0x7f: {  	_ =	swait.ge [sflag:s26], $0x800  }
0x80: {  	s6 =	simm.s32 $0x20;
	s5 =	simm.s32 $0x10;
	[sflag:s26] =	ssyncset.done $0x0  }
.LBB2_4:
0x81: {  	s7 =	sadd.s32 s5, s24  }
0x82: {  	[sflag:s26] =	ssyncadd.s32 $0xFFFFF800;
	s5 =	smov.u32 s6;
	s8 =	sadd.s32 $0x10, s6  }
0x83: {  	[tilespmem:s29], [sflag:$0x2] =	stream.linear.gather [hbm4b:s7+s4], $0x80, $0x38;
	[tilespmem:$0xE880] =	vst v63  }
0x84: {  	p1 =	sne.s32 s6, $0xA10;
	_ =	swait.ge [sflag:s26], $0x80  }
.Ltmp3:
0x85: {  	[sflag:s26] =	ssyncset.done $0x0;
	(pc) =	sbr.rel @p1 .LBB2_4-.Ltmp3, $4  }
0x86: {  	[sflag:s26] =	ssyncadd.s32 $0xFFFFFF80  }
0x87: {  	[spmem:s3] =	stream.indirect.scatter.add.f32 [tilespmem:s25], [sflag:$0x2], $0x10, s29, s30, $0xb8;
	[tilespmem:$0xE880] =	vst v63  }
0x88: {  	_ =	swait.ge [sflag:s26], $0x800  }
0x89: {  	s6 =	smov.u32 s8;
	[sflag:s26] =	ssyncset.done $0x0  }
0x8a: {  	s5 =	sadd.s32 s5, s24;
	[sflag:s26] =	ssyncadd.s32 $0xFFFFF800  }
0x8b: {  	[tilespmem:s29], [sflag:$0x2] =	stream.linear.gather [hbm4b:s5+s4], $0x80, $0x38;
	[tilespmem:$0xE880] =	vst v63  }
0x8c: {  	_ =	swait.ge [sflag:s26], $0x80  }
0x8d: {  	[sflag:s26] =	ssyncset.done $0x0  }
0x8e: {  	[sflag:s26] =	ssyncadd.s32 $0xFFFFFF80  }
0x8f: {  	[spmem:s3] =	stream.indirect.scatter.add.f32 [tilespmem:s25], [sflag:$0x2], $0x10, s29, s30, $0xb8;
	[tilespmem:$0xE880] =	vst v63  }
0x90: {  	_ =	swait.ge [sflag:s26], $0x800  }
0x91: {  	s8 =	stileid.u32;
	[sflag:s26] =	ssyncset.done $0x0  }
0x92: {  	s6 =	sshrl.u32 s17, $0x3;
	s5 =	sshll.u32 s8, $0x6;
	[sflag:s26] =	ssyncadd.s32 $0xFFFFF800  }
.Ltmp4:
0x93: {  	s5 =	sor.u32 $0x1C02, s5;
	[bflag:$0x0] =	sbarrier.arrive $0xFFFF;
	(pc) =	sbr.rel .LBB2_6-.Ltmp4, $4  }
0x94: {  	[hbm:s22], [sflag:s5] =	dma.local [spmem:s6], $0x2800  }
0x95: {  	_ =	swait.ge [sflag:s26], $0x2800  }
0x96: {  	[sflag:s26] =	ssyncset.done $0x0  }
0x97: {  	[sflag:s26] =	ssyncadd.s32 $0xFFFFD800  }
.LBB2_7:
0x98: {  	_ =	sfence.sel $0x180000  }
0x99: {  	[bflag:$0x0] =	sbarrier.arrive $0xFFFF  }
0x9a: {  	_ =	strace $0x90000047  }
0x9b: {  	s0 =	stileid.u32;
	[bflag:$0x2] =	sbarrier.arrive $0xFFFF  }
0x9c: {  	p0 =	sne.s32 s0, $0x0;
	s0 =	rddreg [dreg:$0x3]  }
0x9d: {  	s0 =	sadd.s32 @!p0 $0x100000, s0  }
0x9e: {  	[sflag:s0] =	ssyncadd.tile.s32 @!p0 $0x1;
	_ =	shalt  }
.Lfunc_end2:
_tile_overlayer_lowered:
.L_overlay_start_2:
0x9f: {  	(tag) =	ssettag $0x2  }
0xa0: {  	s0 =	rddreg [dreg:$0x0];
	s2 =	stileid.u32  }
0xa1: {  	s1 =	rddreg [dreg:$0x1];
	p0 =	sne.s32 s2, $0x0  }
0xa2: {  	s3 =	rddreg [dreg:$0x2];
	[bflag:$0x3] =	sbarrier.arrive $0xFFFF;
	s2 =	simm.s32 @!p0 $0x1C02  }
0xa3: {  	[timem:s3], [sflag:s2] =	dma.local @!p0 [hbm:s0], s1  }
0xa4: {  	s0 =	simm.s32 @!p0 $0x2  }
0xa5: {  	_ =	swait.ge @!p0 [sflag:s0], s1  }
0xa6: {  	s1 =	ssub.s32 @!p0 $0x0, s1;
	[sflag:s0] =	ssyncset.done @!p0 $0x0  }
0xa7: {  	[sflag:s0] =	ssyncadd.s32 @!p0 s1  }
0xa8: {  	[bflag:$0x3] =	sbarrier.arrive $0xFFFF  }
0xa9: {  	_ =	shalt  }

</sc_bundles>
